<compile_context>
chip_gen: v7x
topology: tpu7x:2x2x1
jax: 0.10.2.dev20260603
libtpu: 0.0.44.dev20260713+nightly
codegen_flags: <defaults>
</compile_context>

<pallas_src>
import functools

import jax
import jax.numpy as jnp
from jax import lax
from jax.experimental import pallas as pl
from jax.experimental.pallas import tpu as pltpu
from jax.experimental.pallas import tpu_sc as plsc

NTOK = 100001
NINP = 64
NUM_CORES = 2
NUM_SUBCORES = 16
NW = NUM_CORES * NUM_SUBCORES
LANES = 16
NBUF = 4
NBUF_O = 3


def _gather_t_call(hist, batch, idx_t, w_t):
    mesh = plsc.VectorSubcoreMesh(
        core_axis_name="c", subcore_axis_name="s",
        num_cores=NUM_CORES, num_subcores=NUM_SUBCORES,
    )
    c_per_w = NINP // NW

    @functools.partial(
        pl.kernel,
        out_type=jax.ShapeDtypeStruct((hist, NINP, batch), jnp.float32),
        mesh=mesh,
        compiler_params=pltpu.CompilerParams(
            use_tc_tiling_on_sc=True, needs_layout_passes=False),
        scratch_types=[
            pltpu.VMEM((NTOK,), jnp.float32),
            pltpu.VMEM((NBUF * batch,), jnp.int32),
            pltpu.VMEM((NBUF_O * batch,), jnp.float32),
            pltpu.SemaphoreType.DMA,
            pltpu.SemaphoreType.DMA,
            pltpu.SemaphoreType.DMA,
        ],
    )
    def gather_kernel(idx_hbm, w_hbm, out_hbm, w_row, idx_v, out_v, sem_w,
                      sem_i, sem_o):
        wid = lax.axis_index("s") * NUM_CORES + lax.axis_index("c")

        cw = pltpu.async_copy(w_hbm.at[wid], w_row, sem_w)
        for cc in range(c_per_w):
            c = wid + NW * cc

            def idx_start(h):
                buf = h % NBUF
                return pltpu.async_copy(
                    idx_hbm.at[h], idx_v.at[pl.ds(buf * batch, batch)],
                    sem_i)

            def out_start(h):
                buf = h % NBUF_O
                return pltpu.async_copy(
                    out_v.at[pl.ds(buf * batch, batch)], out_hbm.at[h, c],
                    sem_o)

            idx_start(0)
            idx_start(1)
            idx_start(2)
            cw.wait()

            def h_body(h, _):
                buf = h % NBUF

                @pl.when(h + 3 < hist)
                def _():
                    idx_start(h + 3)

                pltpu.make_async_copy(
                    idx_hbm.at[0], idx_v.at[pl.ds(0, batch)], sem_i).wait()

                @pl.when(h >= NBUF_O)
                def _():
                    pltpu.make_async_copy(
                        out_v.at[pl.ds(0, batch)], out_hbm.at[0, 0],
                        sem_o).wait()

                obuf = h % NBUF_O

                @plsc.parallel_loop(0, batch, step=LANES, unroll=16)
                def _(k):
                    iv = idx_v[pl.ds(buf * batch + k, LANES)]
                    vals = plsc.load_gather(w_row, [iv])
                    out_v[pl.ds(obuf * batch + k, LANES)] = vals

                out_start(h)
                return 0

            lax.fori_loop(0, hist, h_body, 0)
            if cc + 1 < c_per_w:
                cw = pltpu.async_copy(w_hbm.at[wid + NW * (cc + 1)], w_row,
                                      sem_w)
            for _ in range(NBUF_O):
                pltpu.make_async_copy(
                    out_v.at[pl.ds(0, batch)], out_hbm.at[0, 0],
                    sem_o).wait()

    return gather_kernel(idx_t, w_t)


def kernel(input, W):
    batch, hist = input.shape
    idx_t = input.T
    w_t = W.T
    out_t = _gather_t_call(hist, batch, idx_t, w_t)
    return out_t.transpose(2, 0, 1)

# --- scband reference (transcript-rebuilt; emitter-appended) ---
"""Pipeline reference for scband-net-w-34076270526824 (READ-ONLY COPY).

The authoritative reference and input builder live on the scoring server;
editing this copy changes nothing except your own understanding.
"""

import jax, jax.numpy as jnp
import numpy as np

NTOKEN = 100000
NINP = 64
BATCH = 4096
HIST = 50

def setup_inputs(seed: int = 0) -> dict:
    key = jax.random.key(seed)
    k1, k2 = jax.random.split(key)
    input_idx = jax.random.randint(k1, (BATCH, HIST), 0, NTOKEN + 1, dtype=jnp.int64 if jax.config.jax_enable_x64 else jnp.int32)
    # embedding table initialized uniform(-0.1, 0.1) as in init_weights
    W = jax.random.uniform(k2, (NTOKEN + 1, NINP), dtype=jnp.float32, minval=-0.1, maxval=0.1)
    return {"input": input_idx, "W": W}

def reference(input, W):
    # forward with format='index': embedding lookup followed by dropout.
    # Dropout is identity in eval mode (training=False), so it is omitted.
    out = jnp.take(W, input, axis=0)
    return out

if __name__ == "__main__":
    import jax
    _d = setup_inputs()
    print(jax.jit(kernel)(*tuple(_d.values())))

</pallas_src>

<mosaic_0001>
#map = affine_map<(d0, d1) -> (0, 0)>
#map1 = affine_map<(d0, d1) -> (0, 0, 0)>
module attributes {stable_mosaic.version = 14 : i64} {
  func.func @gather_kernel(%arg0: i32, %arg1: i32, %arg2: memref<50x4096xi32, #tpu.memory_space<hbm>>, %arg3: memref<64x100001xf32, #tpu.memory_space<hbm>>, %arg4: memref<50x64x4096xf32, #tpu.memory_space<hbm>>, %arg5: memref<100001xf32, #tpu.memory_space<vmem>>, %arg6: memref<16384xi32, #tpu.memory_space<vmem>>, %arg7: memref<12288xf32, #tpu.memory_space<vmem>>, %arg8: memref<!tpu.dma_semaphore, #tpu.memory_space<semaphore_mem>>, %arg9: memref<!tpu.dma_semaphore, #tpu.memory_space<semaphore_mem>>, %arg10: memref<!tpu.dma_semaphore, #tpu.memory_space<semaphore_mem>>) attributes {dimension_semantics = [#tpu.dimension_semantics<core_parallel>, #tpu.dimension_semantics<subcore_parallel>], iteration_bounds = array<i64: 2, 16>, scalar_prefetch = 0 : i64, scratch_operands = 6 : i64, tpu.core_type = #tpu.core_type<sc_vector_subcore>, window_params = [{transform_indices = #map}, {transform_indices = #map}, {transform_indices = #map1}]} {
    %mul3A = arith.constant 2 : i32
    %mul3A_0 = arith.muli %arg1, %mul3A : i32
    %add3A = arith.addi %mul3A_0, %arg0 : i32
    %dma_start3A = arith.constant 0 : i32
    %dma_start3A_1 = tpu.memref_slice %arg3[%add3A, %dma_start3A] : memref<64x100001xf32, #tpu.memory_space<hbm>> -> memref<1x100001xf32, #tpu.memory_space<hbm>>
    %dma_start3A_2 = tpu.memref_squeeze %dma_start3A_1 : memref<1x100001xf32, #tpu.memory_space<hbm>> -> memref<100001xf32, #tpu.memory_space<hbm>>
    %dma_start3A_3 = arith.constant 0 : i32
    %dma_start3A_4 = tpu.memref_slice %arg3[%add3A, %dma_start3A_3] : memref<64x100001xf32, #tpu.memory_space<hbm>> -> memref<1x100001xf32, #tpu.memory_space<hbm>>
    %dma_start3A_5 = tpu.memref_squeeze %dma_start3A_4 : memref<1x100001xf32, #tpu.memory_space<hbm>> -> memref<100001xf32, #tpu.memory_space<hbm>>
    tpu.enqueue_dma source(%dma_start3A_5 : memref<100001xf32, #tpu.memory_space<hbm>>) target(%arg5 : memref<100001xf32, #tpu.memory_space<vmem>>) target_semaphore(%arg8 : memref<!tpu.dma_semaphore, #tpu.memory_space<semaphore_mem>>)
    %add3A_6 = arith.constant 0 : i32
    %add3A_7 = arith.addi %add3A, %add3A_6 : i32
    %dma_start3A_8 = arith.constant 0 : i32
    %dma_start3A_9 = arith.constant 0 : i32
    %dma_start3A_10 = tpu.memref_slice %arg6[%dma_start3A_9] : memref<16384xi32, #tpu.memory_space<vmem>> -> memref<4096xi32, #tpu.memory_space<vmem>>
    %dma_start3A_11 = arith.constant 0 : i32
    %dma_start3A_12 = tpu.memref_slice %arg2[%dma_start3A_8, %dma_start3A_11] : memref<50x4096xi32, #tpu.memory_space<hbm>> -> memref<1x4096xi32, #tpu.memory_space<hbm>>
    %dma_start3A_13 = tpu.memref_squeeze %dma_start3A_12 : memref<1x4096xi32, #tpu.memory_space<hbm>> -> memref<4096xi32, #tpu.memory_space<hbm>>
    %dma_start3A_14 = arith.constant 0 : i32
    %dma_start3A_15 = tpu.memref_slice %arg6[%dma_start3A_14] : memref<16384xi32, #tpu.memory_space<vmem>> -> memref<4096xi32, #tpu.memory_space<vmem>>
    %dma_start3A_16 = arith.constant 0 : i32
    %dma_start3A_17 = tpu.memref_slice %arg2[%dma_start3A_8, %dma_start3A_16] : memref<50x4096xi32, #tpu.memory_space<hbm>> -> memref<1x4096xi32, #tpu.memory_space<hbm>>
    %dma_start3A_18 = tpu.memref_squeeze %dma_start3A_17 : memref<1x4096xi32, #tpu.memory_space<hbm>> -> memref<4096xi32, #tpu.memory_space<hbm>>
    tpu.enqueue_dma source(%dma_start3A_18 : memref<4096xi32, #tpu.memory_space<hbm>>) target(%dma_start3A_15 : memref<4096xi32, #tpu.memory_space<vmem>>) target_semaphore(%arg9 : memref<!tpu.dma_semaphore, #tpu.memory_space<semaphore_mem>>)
    %dma_start3A_19 = arith.constant 1 : i32
    %dma_start3A_20 = arith.constant 4096 : i32
    %dma_start3A_21 = tpu.memref_slice %arg6[%dma_start3A_20] : memref<16384xi32, #tpu.memory_space<vmem>> -> memref<4096xi32, #tpu.memory_space<vmem>>
    %dma_start3A_22 = arith.constant 0 : i32
    %dma_start3A_23 = tpu.memref_slice %arg2[%dma_start3A_19, %dma_start3A_22] : memref<50x4096xi32, #tpu.memory_space<hbm>> -> memref<1x4096xi32, #tpu.memory_space<hbm>>
    %dma_start3A_24 = tpu.memref_squeeze %dma_start3A_23 : memref<1x4096xi32, #tpu.memory_space<hbm>> -> memref<4096xi32, #tpu.memory_space<hbm>>
    %dma_start3A_25 = arith.constant 4096 : i32
    %dma_start3A_26 = tpu.memref_slice %arg6[%dma_start3A_25] : memref<16384xi32, #tpu.memory_space<vmem>> -> memref<4096xi32, #tpu.memory_space<vmem>>
    %dma_start3A_27 = arith.constant 0 : i32
    %dma_start3A_28 = tpu.memref_slice %arg2[%dma_start3A_19, %dma_start3A_27] : memref<50x4096xi32, #tpu.memory_space<hbm>> -> memref<1x4096xi32, #tpu.memory_space<hbm>>
    %dma_start3A_29 = tpu.memref_squeeze %dma_start3A_28 : memref<1x4096xi32, #tpu.memory_space<hbm>> -> memref<4096xi32, #tpu.memory_space<hbm>>
    tpu.enqueue_dma source(%dma_start3A_29 : memref<4096xi32, #tpu.memory_space<hbm>>) target(%dma_start3A_26 : memref<4096xi32, #tpu.memory_space<vmem>>) target_semaphore(%arg9 : memref<!tpu.dma_semaphore, #tpu.memory_space<semaphore_mem>>)
    %dma_start3A_30 = arith.constant 2 : i32
    %dma_start3A_31 = arith.constant 8192 : i32
    %dma_start3A_32 = tpu.memref_slice %arg6[%dma_start3A_31] : memref<16384xi32, #tpu.memory_space<vmem>> -> memref<4096xi32, #tpu.memory_space<vmem>>
    %dma_start3A_33 = arith.constant 0 : i32
    %dma_start3A_34 = tpu.memref_slice %arg2[%dma_start3A_30, %dma_start3A_33] : memref<50x4096xi32, #tpu.memory_space<hbm>> -> memref<1x4096xi32, #tpu.memory_space<hbm>>
    %dma_start3A_35 = tpu.memref_squeeze %dma_start3A_34 : memref<1x4096xi32, #tpu.memory_space<hbm>> -> memref<4096xi32, #tpu.memory_space<hbm>>
    %dma_start3A_36 = arith.constant 8192 : i32
    %dma_start3A_37 = tpu.memref_slice %arg6[%dma_start3A_36] : memref<16384xi32, #tpu.memory_space<vmem>> -> memref<4096xi32, #tpu.memory_space<vmem>>
    %dma_start3A_38 = arith.constant 0 : i32
    %dma_start3A_39 = tpu.memref_slice %arg2[%dma_start3A_30, %dma_start3A_38] : memref<50x4096xi32, #tpu.memory_space<hbm>> -> memref<1x4096xi32, #tpu.memory_space<hbm>>
    %dma_start3A_40 = tpu.memref_squeeze %dma_start3A_39 : memref<1x4096xi32, #tpu.memory_space<hbm>> -> memref<4096xi32, #tpu.memory_space<hbm>>
    tpu.enqueue_dma source(%dma_start3A_40 : memref<4096xi32, #tpu.memory_space<hbm>>) target(%dma_start3A_37 : memref<4096xi32, #tpu.memory_space<vmem>>) target_semaphore(%arg9 : memref<!tpu.dma_semaphore, #tpu.memory_space<semaphore_mem>>)
    %dma_wait3A = arith.constant 0 : i32
    %dma_wait3A_41 = tpu.memref_slice %arg3[%add3A, %dma_wait3A] : memref<64x100001xf32, #tpu.memory_space<hbm>> -> memref<1x100001xf32, #tpu.memory_space<hbm>>
    %dma_wait3A_42 = tpu.memref_squeeze %dma_wait3A_41 : memref<1x100001xf32, #tpu.memory_space<hbm>> -> memref<100001xf32, #tpu.memory_space<hbm>>
    %dma_wait3A_43 = arith.constant 0 : i32
    %dma_wait3A_44 = tpu.memref_slice %arg3[%add3A, %dma_wait3A_43] : memref<64x100001xf32, #tpu.memory_space<hbm>> -> memref<1x100001xf32, #tpu.memory_space<hbm>>
    %dma_wait3A_45 = tpu.memref_squeeze %dma_wait3A_44 : memref<1x100001xf32, #tpu.memory_space<hbm>> -> memref<100001xf32, #tpu.memory_space<hbm>>
    tpu.wait_dma2 semaphore(%arg8 : memref<!tpu.dma_semaphore, #tpu.memory_space<semaphore_mem>>) src(%dma_wait3A_45 : memref<100001xf32, #tpu.memory_space<hbm>>) dst(%arg5 : memref<100001xf32, #tpu.memory_space<vmem>>)
    %scan3A = arith.constant 0 : i32
    %scan3A_46 = arith.constant 0 : i32
    %scan3A_47 = arith.constant 50 : i32
    %scan3A_48 = arith.addi %scan3A_46, %scan3A_47 : i32
    %scan3A_49 = arith.constant 1 : i32
    %scan3A_50 = scf.for %scan3A_180 = %scan3A_46 to %scan3A_48 step %scan3A_49 iter_args(%scan3A_181 = %scan3A) -> (i32)  : i32 {
      %jit3A = arith.constant 4 : i32
      %eq3A = arith.constant 0 : i32
      %eq3A_182 = arith.cmpi eq, %jit3A, %eq3A : i32
      %jit3A_183 = arith.constant 1 : i32
      %select_n3A = arith.select %eq3A_182, %jit3A_183, %jit3A : i32
      %rem3A = arith.remsi %scan3A_180, %select_n3A : i32
      %ne3A = arith.constant 0 : i32
      %ne3A_184 = arith.cmpi ne, %rem3A, %ne3A : i32
      %lt3A = arith.constant 0 : i32
      %lt3A_185 = arith.cmpi slt, %rem3A, %lt3A : i32
      %lt3A_186 = arith.constant 0 : i32
      %lt3A_187 = arith.cmpi slt, %select_n3A, %lt3A_186 : i32
      %ne3A_188 = arith.xori %lt3A_185, %lt3A_187 : i1
      %and3A = arith.andi %ne3A_188, %ne3A_184 : i1
      %add3A_189 = arith.addi %rem3A, %select_n3A : i32
      %select_n3A_190 = arith.select %and3A, %add3A_189, %rem3A : i32
      %add3A_191 = arith.constant 3 : i32
      %add3A_192 = arith.addi %scan3A_180, %add3A_191 : i32
      %lt3A_193 = arith.constant 50 : i32
      %lt3A_194 = arith.cmpi slt, %add3A_192, %lt3A_193 : i32
      %convert_element_type3A = arith.extui %lt3A_194 : i1 to i32
      %cond3A = arith.constant 0 : i32
      %cond3A_195 = arith.cmpi ne, %convert_element_type3A, %cond3A : i32
      scf.if %cond3A_195 {
        %add3A_256 = arith.constant 3 : i32
        %add3A_257 = arith.addi %scan3A_180, %add3A_256 : i32
        %jit3A_258 = arith.constant 4 : i32
        %eq3A_259 = arith.constant 0 : i32
        %eq3A_260 = arith.cmpi eq, %jit3A_258, %eq3A_259 : i32
        %jit3A_261 = arith.constant 1 : i32
        %select_n3A_262 = arith.select %eq3A_260, %jit3A_261, %jit3A_258 : i32
        %rem3A_263 = arith.remsi %add3A_257, %select_n3A_262 : i32
        %ne3A_264 = arith.constant 0 : i32
        %ne3A_265 = arith.cmpi ne, %rem3A_263, %ne3A_264 : i32
        %lt3A_266 = arith.constant 0 : i32
        %lt3A_267 = arith.cmpi slt, %rem3A_263, %lt3A_266 : i32
        %lt3A_268 = arith.constant 0 : i32
        %lt3A_269 = arith.cmpi slt, %select_n3A_262, %lt3A_268 : i32
        %ne3A_270 = arith.xori %lt3A_267, %lt3A_269 : i1
        %and3A_271 = arith.andi %ne3A_270, %ne3A_265 : i1
        %add3A_272 = arith.addi %rem3A_263, %select_n3A_262 : i32
        %select_n3A_273 = arith.select %and3A_271, %add3A_272, %rem3A_263 : i32
        %mul3A_274 = arith.constant 4096 : i32
        %mul3A_275 = arith.muli %select_n3A_273, %mul3A_274 : i32
        %dma_start3A_276 = tpu.memref_slice %arg6[%mul3A_275] : memref<16384xi32, #tpu.memory_space<vmem>> -> memref<4096xi32, #tpu.memory_space<vmem>>
        %dma_start3A_277 = arith.constant 0 : i32
        %dma_start3A_278 = tpu.memref_slice %arg2[%add3A_257, %dma_start3A_277] : memref<50x4096xi32, #tpu.memory_space<hbm>> -> memref<1x4096xi32, #tpu.memory_space<hbm>>
        %dma_start3A_279 = tpu.memref_squeeze %dma_start3A_278 : memref<1x4096xi32, #tpu.memory_space<hbm>> -> memref<4096xi32, #tpu.memory_space<hbm>>
        %dma_start3A_280 = tpu.memref_slice %arg6[%mul3A_275] : memref<16384xi32, #tpu.memory_space<vmem>> -> memref<4096xi32, #tpu.memory_space<vmem>>
        %dma_start3A_281 = arith.constant 0 : i32
        %dma_start3A_282 = tpu.memref_slice %arg2[%add3A_257, %dma_start3A_281] : memref<50x4096xi32, #tpu.memory_space<hbm>> -> memref<1x4096xi32, #tpu.memory_space<hbm>>
        %dma_start3A_283 = tpu.memref_squeeze %dma_start3A_282 : memref<1x4096xi32, #tpu.memory_space<hbm>> -> memref<4096xi32, #tpu.memory_space<hbm>>
        tpu.enqueue_dma source(%dma_start3A_283 : memref<4096xi32, #tpu.memory_space<hbm>>) target(%dma_start3A_280 : memref<4096xi32, #tpu.memory_space<vmem>>) target_semaphore(%arg9 : memref<!tpu.dma_semaphore, #tpu.memory_space<semaphore_mem>>)
      } else {
      }
      %dma_wait3A_196 = arith.constant 0 : i32
      %dma_wait3A_197 = arith.constant 0 : i32
      %dma_wait3A_198 = tpu.memref_slice %arg6[%dma_wait3A_197] : memref<16384xi32, #tpu.memory_space<vmem>> -> memref<4096xi32, #tpu.memory_space<vmem>>
      %dma_wait3A_199 = arith.constant 0 : i32
      %dma_wait3A_200 = tpu.memref_slice %arg2[%dma_wait3A_196, %dma_wait3A_199] : memref<50x4096xi32, #tpu.memory_space<hbm>> -> memref<1x4096xi32, #tpu.memory_space<hbm>>
      %dma_wait3A_201 = tpu.memref_squeeze %dma_wait3A_200 : memref<1x4096xi32, #tpu.memory_space<hbm>> -> memref<4096xi32, #tpu.memory_space<hbm>>
      %dma_wait3A_202 = arith.constant 0 : i32
      %dma_wait3A_203 = tpu.memref_slice %arg6[%dma_wait3A_202] : memref<16384xi32, #tpu.memory_space<vmem>> -> memref<4096xi32, #tpu.memory_space<vmem>>
      %dma_wait3A_204 = arith.constant 0 : i32
      %dma_wait3A_205 = tpu.memref_slice %arg2[%dma_wait3A_196, %dma_wait3A_204] : memref<50x4096xi32, #tpu.memory_space<hbm>> -> memref<1x4096xi32, #tpu.memory_space<hbm>>
      %dma_wait3A_206 = tpu.memref_squeeze %dma_wait3A_205 : memref<1x4096xi32, #tpu.memory_space<hbm>> -> memref<4096xi32, #tpu.memory_space<hbm>>
      tpu.wait_dma2 semaphore(%arg9 : memref<!tpu.dma_semaphore, #tpu.memory_space<semaphore_mem>>) src(%dma_wait3A_206 : memref<4096xi32, #tpu.memory_space<hbm>>) dst(%dma_wait3A_203 : memref<4096xi32, #tpu.memory_space<vmem>>)
      %ge3A = arith.constant 3 : i32
      %ge3A_207 = arith.cmpi sge, %scan3A_180, %ge3A : i32
      %convert_element_type3A_208 = arith.extui %ge3A_207 : i1 to i32
      %cond3A_209 = arith.constant 0 : i32
      %cond3A_210 = arith.cmpi ne, %convert_element_type3A_208, %cond3A_209 : i32
      scf.if %cond3A_210 {
        %dma_wait3A_256 = arith.constant 0 : i32
        %dma_wait3A_257 = arith.constant 0 : i32
        %dma_wait3A_258 = arith.constant 0 : i32
        %dma_wait3A_259 = tpu.memref_slice %arg7[%dma_wait3A_258] : memref<12288xf32, #tpu.memory_space<vmem>> -> memref<4096xf32, #tpu.memory_space<vmem>>
        %dma_wait3A_260 = arith.constant 0 : i32
        %dma_wait3A_261 = tpu.memref_slice %arg4[%dma_wait3A_256, %dma_wait3A_257, %dma_wait3A_260] : memref<50x64x4096xf32, #tpu.memory_space<hbm>> -> memref<1x1x4096xf32, #tpu.memory_space<hbm>>
        %dma_wait3A_262 = tpu.memref_squeeze %dma_wait3A_261 : memref<1x1x4096xf32, #tpu.memory_space<hbm>> -> memref<4096xf32, #tpu.memory_space<hbm>>
        %dma_wait3A_263 = arith.constant 0 : i32
        %dma_wait3A_264 = tpu.memref_slice %arg4[%dma_wait3A_256, %dma_wait3A_257, %dma_wait3A_263] : memref<50x64x4096xf32, #tpu.memory_space<hbm>> -> memref<1x1x4096xf32, #tpu.memory_space<hbm>>
        %dma_wait3A_265 = tpu.memref_squeeze %dma_wait3A_264 : memref<1x1x4096xf32, #tpu.memory_space<hbm>> -> memref<4096xf32, #tpu.memory_space<hbm>>
        %dma_wait3A_266 = arith.constant 0 : i32
        %dma_wait3A_267 = tpu.memref_slice %arg7[%dma_wait3A_266] : memref<12288xf32, #tpu.memory_space<vmem>> -> memref<4096xf32, #tpu.memory_space<vmem>>
        tpu.wait_dma2 semaphore(%arg10 : memref<!tpu.dma_semaphore, #tpu.memory_space<semaphore_mem>>) src(%dma_wait3A_267 : memref<4096xf32, #tpu.memory_space<vmem>>) dst(%dma_wait3A_265 : memref<4096xf32, #tpu.memory_space<hbm>>)
      } else {
      }
      %jit3A_211 = arith.constant 3 : i32
      %eq3A_212 = arith.constant 0 : i32
      %eq3A_213 = arith.cmpi eq, %jit3A_211, %eq3A_212 : i32
      %jit3A_214 = arith.constant 1 : i32
      %select_n3A_215 = arith.select %eq3A_213, %jit3A_214, %jit3A_211 : i32
      %rem3A_216 = arith.remsi %scan3A_180, %select_n3A_215 : i32
      %ne3A_217 = arith.constant 0 : i32
      %ne3A_218 = arith.cmpi ne, %rem3A_216, %ne3A_217 : i32
      %lt3A_219 = arith.constant 0 : i32
      %lt3A_220 = arith.cmpi slt, %rem3A_216, %lt3A_219 : i32
      %lt3A_221 = arith.constant 0 : i32
      %lt3A_222 = arith.cmpi slt, %select_n3A_215, %lt3A_221 : i32
      %ne3A_223 = arith.xori %lt3A_220, %lt3A_222 : i1
      %and3A_224 = arith.andi %ne3A_223, %ne3A_218 : i1
      %add3A_225 = arith.addi %rem3A_216, %select_n3A_215 : i32
      %select_n3A_226 = arith.select %and3A_224, %add3A_225, %rem3A_216 : i32
      %parallel_loop3A = arith.constant 0 : i32
      %parallel_loop3A_227 = arith.constant 4096 : i32
      %parallel_loop3A_228 = arith.constant 16 : i32
      scf.for %parallel_loop3A_256 = %parallel_loop3A to %parallel_loop3A_227 step %parallel_loop3A_228  : i32 {
        %parallel_loop3A_257 = arith.constant 4096 : i32
        %parallel_loop3A_258 = arith.muli %select_n3A_190, %parallel_loop3A_257 : i32
        %parallel_loop3A_259 = arith.addi %parallel_loop3A_258, %parallel_loop3A_256 : i32
        %parallel_loop3A_260 = arith.index_cast %parallel_loop3A_259 : i32 to index
        %parallel_loop3A_261 = tpu.vector_load %arg6[%parallel_loop3A_260] {strides = array<i32>} : memref<16384xi32, #tpu.memory_space<vmem>>, vector<16xi32>,
        %parallel_loop3A_262 = tpu.vector_load_idx %arg5[%parallel_loop3A_261] : memref<100001xf32, #tpu.memory_space<vmem>>[vector<16xi32>], vector<16xf32>,
        %parallel_loop3A_263 = arith.constant 4096 : i32
        %parallel_loop3A_264 = arith.muli %select_n3A_226, %parallel_loop3A_263 : i32
        %parallel_loop3A_265 = arith.addi %parallel_loop3A_264, %parallel_loop3A_256 : i32
        %parallel_loop3A_266 = arith.index_cast %parallel_loop3A_265 : i32 to index
        %parallel_loop3A_267 = tpu.vector_load %arg7[%parallel_loop3A_266] {strides = array<i32>} : memref<12288xf32, #tpu.memory_space<vmem>>, vector<16xf32>,
        tpu.vector_store %arg7[%parallel_loop3A_266], %parallel_loop3A_262 {strides = array<i32>} : memref<12288xf32, #tpu.memory_space<vmem>>, vector<16xf32>,
      } {sc.loop_unroll_factor = 16 : i64, sc.parallel_access}
      %jit3A_229 = arith.constant 3 : i32
      %eq3A_230 = arith.constant 0 : i32
      %eq3A_231 = arith.cmpi eq, %jit3A_229, %eq3A_230 : i32
      %jit3A_232 = arith.constant 1 : i32
      %select_n3A_233 = arith.select %eq3A_231, %jit3A_232, %jit3A_229 : i32
      %rem3A_234 = arith.remsi %scan3A_180, %select_n3A_233 : i32
      %ne3A_235 = arith.constant 0 : i32
      %ne3A_236 = arith.cmpi ne, %rem3A_234, %ne3A_235 : i32
      %lt3A_237 = arith.constant 0 : i32
      %lt3A_238 = arith.cmpi slt, %rem3A_234, %lt3A_237 : i32
      %lt3A_239 = arith.constant 0 : i32
      %lt3A_240 = arith.cmpi slt, %select_n3A_233, %lt3A_239 : i32
      %ne3A_241 = arith.xori %lt3A_238, %lt3A_240 : i1
      %and3A_242 = arith.andi %ne3A_241, %ne3A_236 : i1
      %add3A_243 = arith.addi %rem3A_234, %select_n3A_233 : i32
      %select_n3A_244 = arith.select %and3A_242, %add3A_243, %rem3A_234 : i32
      %mul3A_245 = arith.constant 4096 : i32
      %mul3A_246 = arith.muli %select_n3A_244, %mul3A_245 : i32
      %dma_start3A_247 = tpu.memref_slice %arg7[%mul3A_246] : memref<12288xf32, #tpu.memory_space<vmem>> -> memref<4096xf32, #tpu.memory_space<vmem>>
      %dma_start3A_248 = arith.constant 0 : i32
      %dma_start3A_249 = tpu.memref_slice %arg4[%scan3A_180, %add3A_7, %dma_start3A_248] : memref<50x64x4096xf32, #tpu.memory_space<hbm>> -> memref<1x1x4096xf32, #tpu.memory_space<hbm>>
      %dma_start3A_250 = tpu.memref_squeeze %dma_start3A_249 : memref<1x1x4096xf32, #tpu.memory_space<hbm>> -> memref<4096xf32, #tpu.memory_space<hbm>>
      %dma_start3A_251 = arith.constant 0 : i32
      %dma_start3A_252 = tpu.memref_slice %arg4[%scan3A_180, %add3A_7, %dma_start3A_251] : memref<50x64x4096xf32, #tpu.memory_space<hbm>> -> memref<1x1x4096xf32, #tpu.memory_space<hbm>>
      %dma_start3A_253 = tpu.memref_squeeze %dma_start3A_252 : memref<1x1x4096xf32, #tpu.memory_space<hbm>> -> memref<4096xf32, #tpu.memory_space<hbm>>
      %dma_start3A_254 = tpu.memref_slice %arg7[%mul3A_246] : memref<12288xf32, #tpu.memory_space<vmem>> -> memref<4096xf32, #tpu.memory_space<vmem>>
      tpu.enqueue_dma source(%dma_start3A_254 : memref<4096xf32, #tpu.memory_space<vmem>>) target(%dma_start3A_253 : memref<4096xf32, #tpu.memory_space<hbm>>) target_semaphore(%arg10 : memref<!tpu.dma_semaphore, #tpu.memory_space<semaphore_mem>>)
      %scan3A_255 = arith.constant 0 : i32
      scf.yield %scan3A_255 : i32
    }
    %scan3A_51 = arith.constant 50 : i32
    %add3A_52 = arith.constant 32 : i32
    %add3A_53 = arith.addi %add3A, %add3A_52 : i32
    %dma_start3A_54 = arith.constant 0 : i32
    %dma_start3A_55 = tpu.memref_slice %arg3[%add3A_53, %dma_start3A_54] : memref<64x100001xf32, #tpu.memory_space<hbm>> -> memref<1x100001xf32, #tpu.memory_space<hbm>>
    %dma_start3A_56 = tpu.memref_squeeze %dma_start3A_55 : memref<1x100001xf32, #tpu.memory_space<hbm>> -> memref<100001xf32, #tpu.memory_space<hbm>>
    %dma_start3A_57 = arith.constant 0 : i32
    %dma_start3A_58 = tpu.memref_slice %arg3[%add3A_53, %dma_start3A_57] : memref<64x100001xf32, #tpu.memory_space<hbm>> -> memref<1x100001xf32, #tpu.memory_space<hbm>>
    %dma_start3A_59 = tpu.memref_squeeze %dma_start3A_58 : memref<1x100001xf32, #tpu.memory_space<hbm>> -> memref<100001xf32, #tpu.memory_space<hbm>>
    tpu.enqueue_dma source(%dma_start3A_59 : memref<100001xf32, #tpu.memory_space<hbm>>) target(%arg5 : memref<100001xf32, #tpu.memory_space<vmem>>) target_semaphore(%arg8 : memref<!tpu.dma_semaphore, #tpu.memory_space<semaphore_mem>>)
    %dma_wait3A_60 = arith.constant 0 : i32
    %dma_wait3A_61 = arith.constant 0 : i32
    %dma_wait3A_62 = arith.constant 0 : i32
    %dma_wait3A_63 = tpu.memref_slice %arg7[%dma_wait3A_62] : memref<12288xf32, #tpu.memory_space<vmem>> -> memref<4096xf32, #tpu.memory_space<vmem>>
    %dma_wait3A_64 = arith.constant 0 : i32
    %dma_wait3A_65 = tpu.memref_slice %arg4[%dma_wait3A_60, %dma_wait3A_61, %dma_wait3A_64] : memref<50x64x4096xf32, #tpu.memory_space<hbm>> -> memref<1x1x4096xf32, #tpu.memory_space<hbm>>
    %dma_wait3A_66 = tpu.memref_squeeze %dma_wait3A_65 : memref<1x1x4096xf32, #tpu.memory_space<hbm>> -> memref<4096xf32, #tpu.memory_space<hbm>>
    %dma_wait3A_67 = arith.constant 0 : i32
    %dma_wait3A_68 = tpu.memref_slice %arg4[%dma_wait3A_60, %dma_wait3A_61, %dma_wait3A_67] : memref<50x64x4096xf32, #tpu.memory_space<hbm>> -> memref<1x1x4096xf32, #tpu.memory_space<hbm>>
    %dma_wait3A_69 = tpu.memref_squeeze %dma_wait3A_68 : memref<1x1x4096xf32, #tpu.memory_space<hbm>> -> memref<4096xf32, #tpu.memory_space<hbm>>
    %dma_wait3A_70 = arith.constant 0 : i32
    %dma_wait3A_71 = tpu.memref_slice %arg7[%dma_wait3A_70] : memref<12288xf32, #tpu.memory_space<vmem>> -> memref<4096xf32, #tpu.memory_space<vmem>>
    tpu.wait_dma2 semaphore(%arg10 : memref<!tpu.dma_semaphore, #tpu.memory_space<semaphore_mem>>) src(%dma_wait3A_71 : memref<4096xf32, #tpu.memory_space<vmem>>) dst(%dma_wait3A_69 : memref<4096xf32, #tpu.memory_space<hbm>>)
    %dma_wait3A_72 = arith.constant 0 : i32
    %dma_wait3A_73 = arith.constant 0 : i32
    %dma_wait3A_74 = arith.constant 0 : i32
    %dma_wait3A_75 = tpu.memref_slice %arg7[%dma_wait3A_74] : memref<12288xf32, #tpu.memory_space<vmem>> -> memref<4096xf32, #tpu.memory_space<vmem>>
    %dma_wait3A_76 = arith.constant 0 : i32
    %dma_wait3A_77 = tpu.memref_slice %arg4[%dma_wait3A_72, %dma_wait3A_73, %dma_wait3A_76] : memref<50x64x4096xf32, #tpu.memory_space<hbm>> -> memref<1x1x4096xf32, #tpu.memory_space<hbm>>
    %dma_wait3A_78 = tpu.memref_squeeze %dma_wait3A_77 : memref<1x1x4096xf32, #tpu.memory_space<hbm>> -> memref<4096xf32, #tpu.memory_space<hbm>>
    %dma_wait3A_79 = arith.constant 0 : i32
    %dma_wait3A_80 = tpu.memref_slice %arg4[%dma_wait3A_72, %dma_wait3A_73, %dma_wait3A_79] : memref<50x64x4096xf32, #tpu.memory_space<hbm>> -> memref<1x1x4096xf32, #tpu.memory_space<hbm>>
    %dma_wait3A_81 = tpu.memref_squeeze %dma_wait3A_80 : memref<1x1x4096xf32, #tpu.memory_space<hbm>> -> memref<4096xf32, #tpu.memory_space<hbm>>
    %dma_wait3A_82 = arith.constant 0 : i32
    %dma_wait3A_83 = tpu.memref_slice %arg7[%dma_wait3A_82] : memref<12288xf32, #tpu.memory_space<vmem>> -> memref<4096xf32, #tpu.memory_space<vmem>>
    tpu.wait_dma2 semaphore(%arg10 : memref<!tpu.dma_semaphore, #tpu.memory_space<semaphore_mem>>) src(%dma_wait3A_83 : memref<4096xf32, #tpu.memory_space<vmem>>) dst(%dma_wait3A_81 : memref<4096xf32, #tpu.memory_space<hbm>>)
    %dma_wait3A_84 = arith.constant 0 : i32
    %dma_wait3A_85 = arith.constant 0 : i32
    %dma_wait3A_86 = arith.constant 0 : i32
    %dma_wait3A_87 = tpu.memref_slice %arg7[%dma_wait3A_86] : memref<12288xf32, #tpu.memory_space<vmem>> -> memref<4096xf32, #tpu.memory_space<vmem>>
    %dma_wait3A_88 = arith.constant 0 : i32
    %dma_wait3A_89 = tpu.memref_slice %arg4[%dma_wait3A_84, %dma_wait3A_85, %dma_wait3A_88] : memref<50x64x4096xf32, #tpu.memory_space<hbm>> -> memref<1x1x4096xf32, #tpu.memory_space<hbm>>
    %dma_wait3A_90 = tpu.memref_squeeze %dma_wait3A_89 : memref<1x1x4096xf32, #tpu.memory_space<hbm>> -> memref<4096xf32, #tpu.memory_space<hbm>>
    %dma_wait3A_91 = arith.constant 0 : i32
    %dma_wait3A_92 = tpu.memref_slice %arg4[%dma_wait3A_84, %dma_wait3A_85, %dma_wait3A_91] : memref<50x64x4096xf32, #tpu.memory_space<hbm>> -> memref<1x1x4096xf32, #tpu.memory_space<hbm>>
    %dma_wait3A_93 = tpu.memref_squeeze %dma_wait3A_92 : memref<1x1x4096xf32, #tpu.memory_space<hbm>> -> memref<4096xf32, #tpu.memory_space<hbm>>
    %dma_wait3A_94 = arith.constant 0 : i32
    %dma_wait3A_95 = tpu.memref_slice %arg7[%dma_wait3A_94] : memref<12288xf32, #tpu.memory_space<vmem>> -> memref<4096xf32, #tpu.memory_space<vmem>>
    tpu.wait_dma2 semaphore(%arg10 : memref<!tpu.dma_semaphore, #tpu.memory_space<semaphore_mem>>) src(%dma_wait3A_95 : memref<4096xf32, #tpu.memory_space<vmem>>) dst(%dma_wait3A_93 : memref<4096xf32, #tpu.memory_space<hbm>>)
    %add3A_96 = arith.constant 32 : i32
    %add3A_97 = arith.addi %add3A, %add3A_96 : i32
    %dma_start3A_98 = arith.constant 0 : i32
    %dma_start3A_99 = arith.constant 0 : i32
    %dma_start3A_100 = tpu.memref_slice %arg6[%dma_start3A_99] : memref<16384xi32, #tpu.memory_space<vmem>> -> memref<4096xi32, #tpu.memory_space<vmem>>
    %dma_start3A_101 = arith.constant 0 : i32
    %dma_start3A_102 = tpu.memref_slice %arg2[%dma_start3A_98, %dma_start3A_101] : memref<50x4096xi32, #tpu.memory_space<hbm>> -> memref<1x4096xi32, #tpu.memory_space<hbm>>
    %dma_start3A_103 = tpu.memref_squeeze %dma_start3A_102 : memref<1x4096xi32, #tpu.memory_space<hbm>> -> memref<4096xi32, #tpu.memory_space<hbm>>
    %dma_start3A_104 = arith.constant 0 : i32
    %dma_start3A_105 = tpu.memref_slice %arg6[%dma_start3A_104] : memref<16384xi32, #tpu.memory_space<vmem>> -> memref<4096xi32, #tpu.memory_space<vmem>>
    %dma_start3A_106 = arith.constant 0 : i32
    %dma_start3A_107 = tpu.memref_slice %arg2[%dma_start3A_98, %dma_start3A_106] : memref<50x4096xi32, #tpu.memory_space<hbm>> -> memref<1x4096xi32, #tpu.memory_space<hbm>>
    %dma_start3A_108 = tpu.memref_squeeze %dma_start3A_107 : memref<1x4096xi32, #tpu.memory_space<hbm>> -> memref<4096xi32, #tpu.memory_space<hbm>>
    tpu.enqueue_dma source(%dma_start3A_108 : memref<4096xi32, #tpu.memory_space<hbm>>) target(%dma_start3A_105 : memref<4096xi32, #tpu.memory_space<vmem>>) target_semaphore(%arg9 : memref<!tpu.dma_semaphore, #tpu.memory_space<semaphore_mem>>)
    %dma_start3A_109 = arith.constant 1 : i32
    %dma_start3A_110 = arith.constant 4096 : i32
    %dma_start3A_111 = tpu.memref_slice %arg6[%dma_start3A_110] : memref<16384xi32, #tpu.memory_space<vmem>> -> memref<4096xi32, #tpu.memory_space<vmem>>
    %dma_start3A_112 = arith.constant 0 : i32
    %dma_start3A_113 = tpu.memref_slice %arg2[%dma_start3A_109, %dma_start3A_112] : memref<50x4096xi32, #tpu.memory_space<hbm>> -> memref<1x4096xi32, #tpu.memory_space<hbm>>
    %dma_start3A_114 = tpu.memref_squeeze %dma_start3A_113 : memref<1x4096xi32, #tpu.memory_space<hbm>> -> memref<4096xi32, #tpu.memory_space<hbm>>
    %dma_start3A_115 = arith.constant 4096 : i32
    %dma_start3A_116 = tpu.memref_slice %arg6[%dma_start3A_115] : memref<16384xi32, #tpu.memory_space<vmem>> -> memref<4096xi32, #tpu.memory_space<vmem>>
    %dma_start3A_117 = arith.constant 0 : i32
    %dma_start3A_118 = tpu.memref_slice %arg2[%dma_start3A_109, %dma_start3A_117] : memref<50x4096xi32, #tpu.memory_space<hbm>> -> memref<1x4096xi32, #tpu.memory_space<hbm>>
    %dma_start3A_119 = tpu.memref_squeeze %dma_start3A_118 : memref<1x4096xi32, #tpu.memory_space<hbm>> -> memref<4096xi32, #tpu.memory_space<hbm>>
    tpu.enqueue_dma source(%dma_start3A_119 : memref<4096xi32, #tpu.memory_space<hbm>>) target(%dma_start3A_116 : memref<4096xi32, #tpu.memory_space<vmem>>) target_semaphore(%arg9 : memref<!tpu.dma_semaphore, #tpu.memory_space<semaphore_mem>>)
    %dma_start3A_120 = arith.constant 2 : i32
    %dma_start3A_121 = arith.constant 8192 : i32
    %dma_start3A_122 = tpu.memref_slice %arg6[%dma_start3A_121] : memref<16384xi32, #tpu.memory_space<vmem>> -> memref<4096xi32, #tpu.memory_space<vmem>>
    %dma_start3A_123 = arith.constant 0 : i32
    %dma_start3A_124 = tpu.memref_slice %arg2[%dma_start3A_120, %dma_start3A_123] : memref<50x4096xi32, #tpu.memory_space<hbm>> -> memref<1x4096xi32, #tpu.memory_space<hbm>>
    %dma_start3A_125 = tpu.memref_squeeze %dma_start3A_124 : memref<1x4096xi32, #tpu.memory_space<hbm>> -> memref<4096xi32, #tpu.memory_space<hbm>>
    %dma_start3A_126 = arith.constant 8192 : i32
    %dma_start3A_127 = tpu.memref_slice %arg6[%dma_start3A_126] : memref<16384xi32, #tpu.memory_space<vmem>> -> memref<4096xi32, #tpu.memory_space<vmem>>
    %dma_start3A_128 = arith.constant 0 : i32
    %dma_start3A_129 = tpu.memref_slice %arg2[%dma_start3A_120, %dma_start3A_128] : memref<50x4096xi32, #tpu.memory_space<hbm>> -> memref<1x4096xi32, #tpu.memory_space<hbm>>
    %dma_start3A_130 = tpu.memref_squeeze %dma_start3A_129 : memref<1x4096xi32, #tpu.memory_space<hbm>> -> memref<4096xi32, #tpu.memory_space<hbm>>
    tpu.enqueue_dma source(%dma_start3A_130 : memref<4096xi32, #tpu.memory_space<hbm>>) target(%dma_start3A_127 : memref<4096xi32, #tpu.memory_space<vmem>>) target_semaphore(%arg9 : memref<!tpu.dma_semaphore, #tpu.memory_space<semaphore_mem>>)
    %dma_wait3A_131 = arith.constant 0 : i32
    %dma_wait3A_132 = tpu.memref_slice %arg3[%add3A_53, %dma_wait3A_131] : memref<64x100001xf32, #tpu.memory_space<hbm>> -> memref<1x100001xf32, #tpu.memory_space<hbm>>
    %dma_wait3A_133 = tpu.memref_squeeze %dma_wait3A_132 : memref<1x100001xf32, #tpu.memory_space<hbm>> -> memref<100001xf32, #tpu.memory_space<hbm>>
    %dma_wait3A_134 = arith.constant 0 : i32
    %dma_wait3A_135 = tpu.memref_slice %arg3[%add3A_53, %dma_wait3A_134] : memref<64x100001xf32, #tpu.memory_space<hbm>> -> memref<1x100001xf32, #tpu.memory_space<hbm>>
    %dma_wait3A_136 = tpu.memref_squeeze %dma_wait3A_135 : memref<1x100001xf32, #tpu.memory_space<hbm>> -> memref<100001xf32, #tpu.memory_space<hbm>>
    tpu.wait_dma2 semaphore(%arg8 : memref<!tpu.dma_semaphore, #tpu.memory_space<semaphore_mem>>) src(%dma_wait3A_136 : memref<100001xf32, #tpu.memory_space<hbm>>) dst(%arg5 : memref<100001xf32, #tpu.memory_space<vmem>>)
    %scan3A_137 = arith.constant 0 : i32
    %scan3A_138 = arith.constant 0 : i32
    %scan3A_139 = arith.constant 50 : i32
    %scan3A_140 = arith.addi %scan3A_138, %scan3A_139 : i32
    %scan3A_141 = arith.constant 1 : i32
    %scan3A_142 = scf.for %scan3A_180 = %scan3A_138 to %scan3A_140 step %scan3A_141 iter_args(%scan3A_181 = %scan3A_137) -> (i32)  : i32 {
      %jit3A = arith.constant 4 : i32
      %eq3A = arith.constant 0 : i32
      %eq3A_182 = arith.cmpi eq, %jit3A, %eq3A : i32
      %jit3A_183 = arith.constant 1 : i32
      %select_n3A = arith.select %eq3A_182, %jit3A_183, %jit3A : i32
      %rem3A = arith.remsi %scan3A_180, %select_n3A : i32
      %ne3A = arith.constant 0 : i32
      %ne3A_184 = arith.cmpi ne, %rem3A, %ne3A : i32
      %lt3A = arith.constant 0 : i32
      %lt3A_185 = arith.cmpi slt, %rem3A, %lt3A : i32
      %lt3A_186 = arith.constant 0 : i32
      %lt3A_187 = arith.cmpi slt, %select_n3A, %lt3A_186 : i32
      %ne3A_188 = arith.xori %lt3A_185, %lt3A_187 : i1
      %and3A = arith.andi %ne3A_188, %ne3A_184 : i1
      %add3A_189 = arith.addi %rem3A, %select_n3A : i32
      %select_n3A_190 = arith.select %and3A, %add3A_189, %rem3A : i32
      %add3A_191 = arith.constant 3 : i32
      %add3A_192 = arith.addi %scan3A_180, %add3A_191 : i32
      %lt3A_193 = arith.constant 50 : i32
      %lt3A_194 = arith.cmpi slt, %add3A_192, %lt3A_193 : i32
      %convert_element_type3A = arith.extui %lt3A_194 : i1 to i32
      %cond3A = arith.constant 0 : i32
      %cond3A_195 = arith.cmpi ne, %convert_element_type3A, %cond3A : i32
      scf.if %cond3A_195 {
        %add3A_256 = arith.constant 3 : i32
        %add3A_257 = arith.addi %scan3A_180, %add3A_256 : i32
        %jit3A_258 = arith.constant 4 : i32
        %eq3A_259 = arith.constant 0 : i32
        %eq3A_260 = arith.cmpi eq, %jit3A_258, %eq3A_259 : i32
        %jit3A_261 = arith.constant 1 : i32
        %select_n3A_262 = arith.select %eq3A_260, %jit3A_261, %jit3A_258 : i32
        %rem3A_263 = arith.remsi %add3A_257, %select_n3A_262 : i32
        %ne3A_264 = arith.constant 0 : i32
        %ne3A_265 = arith.cmpi ne, %rem3A_263, %ne3A_264 : i32
        %lt3A_266 = arith.constant 0 : i32
        %lt3A_267 = arith.cmpi slt, %rem3A_263, %lt3A_266 : i32
        %lt3A_268 = arith.constant 0 : i32
        %lt3A_269 = arith.cmpi slt, %select_n3A_262, %lt3A_268 : i32
        %ne3A_270 = arith.xori %lt3A_267, %lt3A_269 : i1
        %and3A_271 = arith.andi %ne3A_270, %ne3A_265 : i1
        %add3A_272 = arith.addi %rem3A_263, %select_n3A_262 : i32
        %select_n3A_273 = arith.select %and3A_271, %add3A_272, %rem3A_263 : i32
        %mul3A_274 = arith.constant 4096 : i32
        %mul3A_275 = arith.muli %select_n3A_273, %mul3A_274 : i32
        %dma_start3A_276 = tpu.memref_slice %arg6[%mul3A_275] : memref<16384xi32, #tpu.memory_space<vmem>> -> memref<4096xi32, #tpu.memory_space<vmem>>
        %dma_start3A_277 = arith.constant 0 : i32
        %dma_start3A_278 = tpu.memref_slice %arg2[%add3A_257, %dma_start3A_277] : memref<50x4096xi32, #tpu.memory_space<hbm>> -> memref<1x4096xi32, #tpu.memory_space<hbm>>
        %dma_start3A_279 = tpu.memref_squeeze %dma_start3A_278 : memref<1x4096xi32, #tpu.memory_space<hbm>> -> memref<4096xi32, #tpu.memory_space<hbm>>
        %dma_start3A_280 = tpu.memref_slice %arg6[%mul3A_275] : memref<16384xi32, #tpu.memory_space<vmem>> -> memref<4096xi32, #tpu.memory_space<vmem>>
        %dma_start3A_281 = arith.constant 0 : i32
        %dma_start3A_282 = tpu.memref_slice %arg2[%add3A_257, %dma_start3A_281] : memref<50x4096xi32, #tpu.memory_space<hbm>> -> memref<1x4096xi32, #tpu.memory_space<hbm>>
        %dma_start3A_283 = tpu.memref_squeeze %dma_start3A_282 : memref<1x4096xi32, #tpu.memory_space<hbm>> -> memref<4096xi32, #tpu.memory_space<hbm>>
        tpu.enqueue_dma source(%dma_start3A_283 : memref<4096xi32, #tpu.memory_space<hbm>>) target(%dma_start3A_280 : memref<4096xi32, #tpu.memory_space<vmem>>) target_semaphore(%arg9 : memref<!tpu.dma_semaphore, #tpu.memory_space<semaphore_mem>>)
      } else {
      }
      %dma_wait3A_196 = arith.constant 0 : i32
      %dma_wait3A_197 = arith.constant 0 : i32
      %dma_wait3A_198 = tpu.memref_slice %arg6[%dma_wait3A_197] : memref<16384xi32, #tpu.memory_space<vmem>> -> memref<4096xi32, #tpu.memory_space<vmem>>
      %dma_wait3A_199 = arith.constant 0 : i32
      %dma_wait3A_200 = tpu.memref_slice %arg2[%dma_wait3A_196, %dma_wait3A_199] : memref<50x4096xi32, #tpu.memory_space<hbm>> -> memref<1x4096xi32, #tpu.memory_space<hbm>>
      %dma_wait3A_201 = tpu.memref_squeeze %dma_wait3A_200 : memref<1x4096xi32, #tpu.memory_space<hbm>> -> memref<4096xi32, #tpu.memory_space<hbm>>
      %dma_wait3A_202 = arith.constant 0 : i32
      %dma_wait3A_203 = tpu.memref_slice %arg6[%dma_wait3A_202] : memref<16384xi32, #tpu.memory_space<vmem>> -> memref<4096xi32, #tpu.memory_space<vmem>>
      %dma_wait3A_204 = arith.constant 0 : i32
      %dma_wait3A_205 = tpu.memref_slice %arg2[%dma_wait3A_196, %dma_wait3A_204] : memref<50x4096xi32, #tpu.memory_space<hbm>> -> memref<1x4096xi32, #tpu.memory_space<hbm>>
      %dma_wait3A_206 = tpu.memref_squeeze %dma_wait3A_205 : memref<1x4096xi32, #tpu.memory_space<hbm>> -> memref<4096xi32, #tpu.memory_space<hbm>>
      tpu.wait_dma2 semaphore(%arg9 : memref<!tpu.dma_semaphore, #tpu.memory_space<semaphore_mem>>) src(%dma_wait3A_206 : memref<4096xi32, #tpu.memory_space<hbm>>) dst(%dma_wait3A_203 : memref<4096xi32, #tpu.memory_space<vmem>>)
      %ge3A = arith.constant 3 : i32
      %ge3A_207 = arith.cmpi sge, %scan3A_180, %ge3A : i32
      %convert_element_type3A_208 = arith.extui %ge3A_207 : i1 to i32
      %cond3A_209 = arith.constant 0 : i32
      %cond3A_210 = arith.cmpi ne, %convert_element_type3A_208, %cond3A_209 : i32
      scf.if %cond3A_210 {
        %dma_wait3A_256 = arith.constant 0 : i32
        %dma_wait3A_257 = arith.constant 0 : i32
        %dma_wait3A_258 = arith.constant 0 : i32
        %dma_wait3A_259 = tpu.memref_slice %arg7[%dma_wait3A_258] : memref<12288xf32, #tpu.memory_space<vmem>> -> memref<4096xf32, #tpu.memory_space<vmem>>
        %dma_wait3A_260 = arith.constant 0 : i32
        %dma_wait3A_261 = tpu.memref_slice %arg4[%dma_wait3A_256, %dma_wait3A_257, %dma_wait3A_260] : memref<50x64x4096xf32, #tpu.memory_space<hbm>> -> memref<1x1x4096xf32, #tpu.memory_space<hbm>>
        %dma_wait3A_262 = tpu.memref_squeeze %dma_wait3A_261 : memref<1x1x4096xf32, #tpu.memory_space<hbm>> -> memref<4096xf32, #tpu.memory_space<hbm>>
        %dma_wait3A_263 = arith.constant 0 : i32
        %dma_wait3A_264 = tpu.memref_slice %arg4[%dma_wait3A_256, %dma_wait3A_257, %dma_wait3A_263] : memref<50x64x4096xf32, #tpu.memory_space<hbm>> -> memref<1x1x4096xf32, #tpu.memory_space<hbm>>
        %dma_wait3A_265 = tpu.memref_squeeze %dma_wait3A_264 : memref<1x1x4096xf32, #tpu.memory_space<hbm>> -> memref<4096xf32, #tpu.memory_space<hbm>>
        %dma_wait3A_266 = arith.constant 0 : i32
        %dma_wait3A_267 = tpu.memref_slice %arg7[%dma_wait3A_266] : memref<12288xf32, #tpu.memory_space<vmem>> -> memref<4096xf32, #tpu.memory_space<vmem>>
        tpu.wait_dma2 semaphore(%arg10 : memref<!tpu.dma_semaphore, #tpu.memory_space<semaphore_mem>>) src(%dma_wait3A_267 : memref<4096xf32, #tpu.memory_space<vmem>>) dst(%dma_wait3A_265 : memref<4096xf32, #tpu.memory_space<hbm>>)
      } else {
      }
      %jit3A_211 = arith.constant 3 : i32
      %eq3A_212 = arith.constant 0 : i32
      %eq3A_213 = arith.cmpi eq, %jit3A_211, %eq3A_212 : i32
      %jit3A_214 = arith.constant 1 : i32
      %select_n3A_215 = arith.select %eq3A_213, %jit3A_214, %jit3A_211 : i32
      %rem3A_216 = arith.remsi %scan3A_180, %select_n3A_215 : i32
      %ne3A_217 = arith.constant 0 : i32
      %ne3A_218 = arith.cmpi ne, %rem3A_216, %ne3A_217 : i32
      %lt3A_219 = arith.constant 0 : i32
      %lt3A_220 = arith.cmpi slt, %rem3A_216, %lt3A_219 : i32
      %lt3A_221 = arith.constant 0 : i32
      %lt3A_222 = arith.cmpi slt, %select_n3A_215, %lt3A_221 : i32
      %ne3A_223 = arith.xori %lt3A_220, %lt3A_222 : i1
      %and3A_224 = arith.andi %ne3A_223, %ne3A_218 : i1
      %add3A_225 = arith.addi %rem3A_216, %select_n3A_215 : i32
      %select_n3A_226 = arith.select %and3A_224, %add3A_225, %rem3A_216 : i32
      %parallel_loop3A = arith.constant 0 : i32
      %parallel_loop3A_227 = arith.constant 4096 : i32
      %parallel_loop3A_228 = arith.constant 16 : i32
      scf.for %parallel_loop3A_256 = %parallel_loop3A to %parallel_loop3A_227 step %parallel_loop3A_228  : i32 {
        %parallel_loop3A_257 = arith.constant 4096 : i32
        %parallel_loop3A_258 = arith.muli %select_n3A_190, %parallel_loop3A_257 : i32
        %parallel_loop3A_259 = arith.addi %parallel_loop3A_258, %parallel_loop3A_256 : i32
        %parallel_loop3A_260 = arith.index_cast %parallel_loop3A_259 : i32 to index
        %parallel_loop3A_261 = tpu.vector_load %arg6[%parallel_loop3A_260] {strides = array<i32>} : memref<16384xi32, #tpu.memory_space<vmem>>, vector<16xi32>,
        %parallel_loop3A_262 = tpu.vector_load_idx %arg5[%parallel_loop3A_261] : memref<100001xf32, #tpu.memory_space<vmem>>[vector<16xi32>], vector<16xf32>,
        %parallel_loop3A_263 = arith.constant 4096 : i32
        %parallel_loop3A_264 = arith.muli %select_n3A_226, %parallel_loop3A_263 : i32
        %parallel_loop3A_265 = arith.addi %parallel_loop3A_264, %parallel_loop3A_256 : i32
        %parallel_loop3A_266 = arith.index_cast %parallel_loop3A_265 : i32 to index
        %parallel_loop3A_267 = tpu.vector_load %arg7[%parallel_loop3A_266] {strides = array<i32>} : memref<12288xf32, #tpu.memory_space<vmem>>, vector<16xf32>,
        tpu.vector_store %arg7[%parallel_loop3A_266], %parallel_loop3A_262 {strides = array<i32>} : memref<12288xf32, #tpu.memory_space<vmem>>, vector<16xf32>,
      } {sc.loop_unroll_factor = 16 : i64, sc.parallel_access}
      %jit3A_229 = arith.constant 3 : i32
      %eq3A_230 = arith.constant 0 : i32
      %eq3A_231 = arith.cmpi eq, %jit3A_229, %eq3A_230 : i32
      %jit3A_232 = arith.constant 1 : i32
      %select_n3A_233 = arith.select %eq3A_231, %jit3A_232, %jit3A_229 : i32
      %rem3A_234 = arith.remsi %scan3A_180, %select_n3A_233 : i32
      %ne3A_235 = arith.constant 0 : i32
      %ne3A_236 = arith.cmpi ne, %rem3A_234, %ne3A_235 : i32
      %lt3A_237 = arith.constant 0 : i32
      %lt3A_238 = arith.cmpi slt, %rem3A_234, %lt3A_237 : i32
      %lt3A_239 = arith.constant 0 : i32
      %lt3A_240 = arith.cmpi slt, %select_n3A_233, %lt3A_239 : i32
      %ne3A_241 = arith.xori %lt3A_238, %lt3A_240 : i1
      %and3A_242 = arith.andi %ne3A_241, %ne3A_236 : i1
      %add3A_243 = arith.addi %rem3A_234, %select_n3A_233 : i32
      %select_n3A_244 = arith.select %and3A_242, %add3A_243, %rem3A_234 : i32
      %mul3A_245 = arith.constant 4096 : i32
      %mul3A_246 = arith.muli %select_n3A_244, %mul3A_245 : i32
      %dma_start3A_247 = tpu.memref_slice %arg7[%mul3A_246] : memref<12288xf32, #tpu.memory_space<vmem>> -> memref<4096xf32, #tpu.memory_space<vmem>>
      %dma_start3A_248 = arith.constant 0 : i32
      %dma_start3A_249 = tpu.memref_slice %arg4[%scan3A_180, %add3A_97, %dma_start3A_248] : memref<50x64x4096xf32, #tpu.memory_space<hbm>> -> memref<1x1x4096xf32, #tpu.memory_space<hbm>>
      %dma_start3A_250 = tpu.memref_squeeze %dma_start3A_249 : memref<1x1x4096xf32, #tpu.memory_space<hbm>> -> memref<4096xf32, #tpu.memory_space<hbm>>
      %dma_start3A_251 = arith.constant 0 : i32
      %dma_start3A_252 = tpu.memref_slice %arg4[%scan3A_180, %add3A_97, %dma_start3A_251] : memref<50x64x4096xf32, #tpu.memory_space<hbm>> -> memref<1x1x4096xf32, #tpu.memory_space<hbm>>
      %dma_start3A_253 = tpu.memref_squeeze %dma_start3A_252 : memref<1x1x4096xf32, #tpu.memory_space<hbm>> -> memref<4096xf32, #tpu.memory_space<hbm>>
      %dma_start3A_254 = tpu.memref_slice %arg7[%mul3A_246] : memref<12288xf32, #tpu.memory_space<vmem>> -> memref<4096xf32, #tpu.memory_space<vmem>>
      tpu.enqueue_dma source(%dma_start3A_254 : memref<4096xf32, #tpu.memory_space<vmem>>) target(%dma_start3A_253 : memref<4096xf32, #tpu.memory_space<hbm>>) target_semaphore(%arg10 : memref<!tpu.dma_semaphore, #tpu.memory_space<semaphore_mem>>)
      %scan3A_255 = arith.constant 0 : i32
      scf.yield %scan3A_255 : i32
    }
    %scan3A_143 = arith.constant 50 : i32
    %dma_wait3A_144 = arith.constant 0 : i32
    %dma_wait3A_145 = arith.constant 0 : i32
    %dma_wait3A_146 = arith.constant 0 : i32
    %dma_wait3A_147 = tpu.memref_slice %arg7[%dma_wait3A_146] : memref<12288xf32, #tpu.memory_space<vmem>> -> memref<4096xf32, #tpu.memory_space<vmem>>
    %dma_wait3A_148 = arith.constant 0 : i32
    %dma_wait3A_149 = tpu.memref_slice %arg4[%dma_wait3A_144, %dma_wait3A_145, %dma_wait3A_148] : memref<50x64x4096xf32, #tpu.memory_space<hbm>> -> memref<1x1x4096xf32, #tpu.memory_space<hbm>>
    %dma_wait3A_150 = tpu.memref_squeeze %dma_wait3A_149 : memref<1x1x4096xf32, #tpu.memory_space<hbm>> -> memref<4096xf32, #tpu.memory_space<hbm>>
    %dma_wait3A_151 = arith.constant 0 : i32
    %dma_wait3A_152 = tpu.memref_slice %arg4[%dma_wait3A_144, %dma_wait3A_145, %dma_wait3A_151] : memref<50x64x4096xf32, #tpu.memory_space<hbm>> -> memref<1x1x4096xf32, #tpu.memory_space<hbm>>
    %dma_wait3A_153 = tpu.memref_squeeze %dma_wait3A_152 : memref<1x1x4096xf32, #tpu.memory_space<hbm>> -> memref<4096xf32, #tpu.memory_space<hbm>>
    %dma_wait3A_154 = arith.constant 0 : i32
    %dma_wait3A_155 = tpu.memref_slice %arg7[%dma_wait3A_154] : memref<12288xf32, #tpu.memory_space<vmem>> -> memref<4096xf32, #tpu.memory_space<vmem>>
    tpu.wait_dma2 semaphore(%arg10 : memref<!tpu.dma_semaphore, #tpu.memory_space<semaphore_mem>>) src(%dma_wait3A_155 : memref<4096xf32, #tpu.memory_space<vmem>>) dst(%dma_wait3A_153 : memref<4096xf32, #tpu.memory_space<hbm>>)
    %dma_wait3A_156 = arith.constant 0 : i32
    %dma_wait3A_157 = arith.constant 0 : i32
    %dma_wait3A_158 = arith.constant 0 : i32
    %dma_wait3A_159 = tpu.memref_slice %arg7[%dma_wait3A_158] : memref<12288xf32, #tpu.memory_space<vmem>> -> memref<4096xf32, #tpu.memory_space<vmem>>
    %dma_wait3A_160 = arith.constant 0 : i32
    %dma_wait3A_161 = tpu.memref_slice %arg4[%dma_wait3A_156, %dma_wait3A_157, %dma_wait3A_160] : memref<50x64x4096xf32, #tpu.memory_space<hbm>> -> memref<1x1x4096xf32, #tpu.memory_space<hbm>>
    %dma_wait3A_162 = tpu.memref_squeeze %dma_wait3A_161 : memref<1x1x4096xf32, #tpu.memory_space<hbm>> -> memref<4096xf32, #tpu.memory_space<hbm>>
    %dma_wait3A_163 = arith.constant 0 : i32
    %dma_wait3A_164 = tpu.memref_slice %arg4[%dma_wait3A_156, %dma_wait3A_157, %dma_wait3A_163] : memref<50x64x4096xf32, #tpu.memory_space<hbm>> -> memref<1x1x4096xf32, #tpu.memory_space<hbm>>
    %dma_wait3A_165 = tpu.memref_squeeze %dma_wait3A_164 : memref<1x1x4096xf32, #tpu.memory_space<hbm>> -> memref<4096xf32, #tpu.memory_space<hbm>>
    %dma_wait3A_166 = arith.constant 0 : i32
    %dma_wait3A_167 = tpu.memref_slice %arg7[%dma_wait3A_166] : memref<12288xf32, #tpu.memory_space<vmem>> -> memref<4096xf32, #tpu.memory_space<vmem>>
    tpu.wait_dma2 semaphore(%arg10 : memref<!tpu.dma_semaphore, #tpu.memory_space<semaphore_mem>>) src(%dma_wait3A_167 : memref<4096xf32, #tpu.memory_space<vmem>>) dst(%dma_wait3A_165 : memref<4096xf32, #tpu.memory_space<hbm>>)
    %dma_wait3A_168 = arith.constant 0 : i32
    %dma_wait3A_169 = arith.constant 0 : i32
    %dma_wait3A_170 = arith.constant 0 : i32
    %dma_wait3A_171 = tpu.memref_slice %arg7[%dma_wait3A_170] : memref<12288xf32, #tpu.memory_space<vmem>> -> memref<4096xf32, #tpu.memory_space<vmem>>
    %dma_wait3A_172 = arith.constant 0 : i32
    %dma_wait3A_173 = tpu.memref_slice %arg4[%dma_wait3A_168, %dma_wait3A_169, %dma_wait3A_172] : memref<50x64x4096xf32, #tpu.memory_space<hbm>> -> memref<1x1x4096xf32, #tpu.memory_space<hbm>>
    %dma_wait3A_174 = tpu.memref_squeeze %dma_wait3A_173 : memref<1x1x4096xf32, #tpu.memory_space<hbm>> -> memref<4096xf32, #tpu.memory_space<hbm>>
    %dma_wait3A_175 = arith.constant 0 : i32
    %dma_wait3A_176 = tpu.memref_slice %arg4[%dma_wait3A_168, %dma_wait3A_169, %dma_wait3A_175] : memref<50x64x4096xf32, #tpu.memory_space<hbm>> -> memref<1x1x4096xf32, #tpu.memory_space<hbm>>
    %dma_wait3A_177 = tpu.memref_squeeze %dma_wait3A_176 : memref<1x1x4096xf32, #tpu.memory_space<hbm>> -> memref<4096xf32, #tpu.memory_space<hbm>>
    %dma_wait3A_178 = arith.constant 0 : i32
    %dma_wait3A_179 = tpu.memref_slice %arg7[%dma_wait3A_178] : memref<12288xf32, #tpu.memory_space<vmem>> -> memref<4096xf32, #tpu.memory_space<vmem>>
    tpu.wait_dma2 semaphore(%arg10 : memref<!tpu.dma_semaphore, #tpu.memory_space<semaphore_mem>>) src(%dma_wait3A_179 : memref<4096xf32, #tpu.memory_space<vmem>>) dst(%dma_wait3A_177 : memref<4096xf32, #tpu.memory_space<hbm>>)
    return
  }
}

</mosaic_0001>

<sc_bundles>
// kernel: kernel.3.cloned.1.call-start
scs
__scs_entry_jumppad:
0x0: {  	(pc) =	sbr.rel $0x88, $3  }
0x1: {  	(tag) =	ssettag $0x0;
	lr =	simm.s32 $0x1  }
0x2: {  	[smem:$0x3F9F] =	sst lr;
	_ =	strace $0xD0000000  }
0x3: {  	_ = 	snop  }
0x4: {  	_ = 	snop  }
0x5: {  	_ = 	snop  }
0x6: {  	_ = 	snop  }
0x7: {  	_ = 	snop  }
__scs_overlays_trampoline_lowered:
0x8: {  	[smem:$0x3FAE] =	sst s0  }
0x9: {  	[smem:$0x3FAF] =	sst s1  }
0xa: {  	[smem:$0x3FB0] =	sst s2  }
0xb: {  	[smem:$0x3FB1] =	sst s3  }
0xc: {  	[smem:$0x3FB2] =	sst s4  }
0xd: {  	[smem:$0x3FB3] =	sst s5  }
0xe: {  	[smem:$0x3FB4] =	sst s6  }
0xf: {  	[smem:$0x3FB5] =	sst s7  }
0x10: {  	[smem:$0x3FB6] =	sst s8  }
0x11: {  	[smem:$0x3FB7] =	sst s9;
	s0 =	simm.s32 @!p0 $0x0  }
0x12: {  	s1 =	sld [smem:$0x3F9D];
	s0 =	simm.s32 @p0 $0x1  }
0x13: {  	[smem:$0x3FB8] =	sst s0;
	s0 =	simm.s32 @!p1 $0x0  }
0x14: {  	s2 =	sld [smem:$0x3F9C];
	s0 =	simm.s32 @p1 $0x1  }
0x15: {  	[smem:$0x3FB9] =	sst s0;
	s0 =	simm.s32 @!p2 $0x0  }
0x16: {  	s3 =	sld [smem:$0x3FDB];
	s0 =	simm.s32 @p2 $0x1  }
0x17: {  	s4 =	simm.s32 $0x1BF5;
	[smem:$0x3FBB] =	sst s0  }
0x18: {  	s0 =	sld [smem:$0x3F9E];
	_ =	swait.ge [sflag:s4], $0x0  }
0x19: {  	s7 =	sld [smem:$0x3F9F]  }
0x1a: {  	s8 =	sadd.s32 $0xFFFFE003, lr  }
0x1b: {  	s9 =	sadd.s32 $0xFFFFFEF7, lr;
	s5 =	simm.s32 $0xFFFFFFFF;
	p2 =	slt.u32 s8, $0xFFFFF086  }
0x1c: {  	p1 =	slt.u32 s9, $0xF7A;
	s5 =	simm.s32 @!p2 $0x0  }
0x1d: {  	s5 =	simm.s32 @p1 $0x1;
	p0 =	seq.s32 s7, s2  }
0x1e: {  	s7 =	smul.u32 @!p0 $0xF7A, s2;
	p2 =	seq.s32 @!p0 s5, $0x0  }
0x1f: {  	s9 =	smul.u32 $0xF7A, s1;
	s8 =	simm.s32 @!p0 $0x1BF5;
	p2 =	por !p2, p0  }
0x20: {  	[sflag:s8] =	ssyncset.s32 @!p0 $0xFFFFF086;
	s6 =	sadd.s32 @!p0 s3, s7;
	s7 =	simm.s32 @!p0 $0x108  }
0x21: {  	s3 =	sadd.s32 s3, s9;
	s6 =	sadd.s32 @!p0 $0x88, s6;
	s7 =	simm.s32 @p2 $0x1082  }
0x22: {  	[simem:s7], [sflag:s8] =	dma.local @!p0 [hbm:s6], $0xF7A  }
0x23: {  	s9 =	sor.u32 $0xD0000000, s2;
	s6 =	simm.s32 $0x108;
	_ =	swait.ge @!p0 [sflag:s8], $0x0  }
0x24: {  	s3 =	sadd.s32 $0x88, s3;
	s6 =	simm.s32 @!p1 $0x1082;
	[sflag:s4] =	ssyncset.s32 $0xFFFFF086  }
0x25: {  	[simem:s6], [sflag:s4] =	dma.local [hbm:s3], $0xF7A  }
0x26: {  	[smem:$0x3F9F] =	sst s1;
	(tag) =	ssettag s2;
	_ =	strace s9  }
0x27: {  	s1 =	sld [smem:$0x3FAF]  }
0x28: {  	s2 =	sld [smem:$0x3FB0]  }
0x29: {  	s4 =	sld [smem:$0x3FB2]  }
0x2a: {  	p0 =	seq.s32 s5, $0x0;
	s5 =	sld [smem:$0x3FB3]  }
0x2b: {  	s6 =	sld [smem:$0x3FB4]  }
0x2c: {  	s7 =	sld [smem:$0x3FB5]  }
0x2d: {  	s3 =	simm.s32 $0x108;
	s8 =	sld [smem:$0x3FB6]  }
0x2e: {  	s3 =	simm.s32 @!p0 $0x1082;
	s9 =	sld [smem:$0x3FB7]  }
0x2f: {  	lr =	sadd.s32 s0, s3;
	s0 =	sld [smem:$0x3FAE]  }
0x30: {  	s3 =	sld [smem:$0x3FB1]  }
0x31: {  	[smem:$0x3FBA] =	sst s10  }
0x32: {  	s10 =	sld [smem:$0x3FB8];
	_ =	sdelay $0x3  }
0x33: {  	p0 =	seq.s32 s10, $0x1;
	s10 =	sld [smem:$0x3FBA];
	_ =	sdelay $0x3  }
0x34: {  	[smem:$0x3FBA] =	sst s10  }
0x35: {  	s10 =	sld [smem:$0x3FB9];
	_ =	sdelay $0x3  }
0x36: {  	p1 =	seq.s32 s10, $0x1;
	s10 =	sld [smem:$0x3FBA];
	_ =	sdelay $0x3  }
0x37: {  	[smem:$0x3FBA] =	sst s10  }
0x38: {  	s10 =	sld [smem:$0x3FBB]  }
0x39: {  	_ = 	snop;
	(pc) =	sbr.ind lr, $3  }
0x3a: {  	_ = 	snop  }
0x3b: {  	_ = 	snop  }
0x3c: {  	p2 =	seq.s32 s10, $0x1;
	s10 =	sld [smem:$0x3FBA]  }
0x3d: {  	_ =	shalt  }
0x3e: {  	_ =	shalt  }
0x3f: {  	_ =	shalt  }
0x40: {  	_ =	shalt  }
0x41: {  	_ =	shalt  }
0x42: {  	_ =	shalt  }
0x43: {  	_ =	shalt  }
0x44: {  	_ =	shalt  }
0x45: {  	_ =	shalt  }
0x46: {  	_ =	shalt  }
0x47: {  	_ =	shalt  }
0x48: {  	_ =	shalt  }
0x49: {  	_ =	shalt  }
0x4a: {  	_ =	shalt  }
0x4b: {  	_ =	shalt  }
0x4c: {  	_ =	shalt  }
0x4d: {  	_ =	shalt  }
0x4e: {  	_ =	shalt  }
0x4f: {  	_ =	shalt  }
0x50: {  	_ =	shalt  }
0x51: {  	_ =	shalt  }
0x52: {  	_ =	shalt  }
0x53: {  	_ =	shalt  }
0x54: {  	_ =	shalt  }
0x55: {  	_ =	shalt  }
0x56: {  	_ =	shalt  }
0x57: {  	_ =	shalt  }
0x58: {  	_ =	shalt  }
0x59: {  	_ =	shalt  }
0x5a: {  	_ =	shalt  }
0x5b: {  	_ =	shalt  }
0x5c: {  	_ =	shalt  }
0x5d: {  	_ =	shalt  }
0x5e: {  	_ =	shalt  }
0x5f: {  	_ =	shalt  }
0x60: {  	_ =	shalt  }
0x61: {  	_ =	shalt  }
0x62: {  	_ =	shalt  }
0x63: {  	_ =	shalt  }
0x64: {  	_ =	shalt  }
0x65: {  	_ =	shalt  }
0x66: {  	_ =	shalt  }
0x67: {  	_ =	shalt  }
0x68: {  	_ =	shalt  }
0x69: {  	_ =	shalt  }
0x6a: {  	_ =	shalt  }
0x6b: {  	_ =	shalt  }
0x6c: {  	_ =	shalt  }
0x6d: {  	_ =	shalt  }
0x6e: {  	_ =	shalt  }
0x6f: {  	_ =	shalt  }
0x70: {  	_ =	shalt  }
0x71: {  	_ =	shalt  }
0x72: {  	_ =	shalt  }
0x73: {  	_ =	shalt  }
0x74: {  	_ =	shalt  }
0x75: {  	_ =	shalt  }
0x76: {  	_ =	shalt  }
0x77: {  	_ =	shalt  }
0x78: {  	_ =	shalt  }
0x79: {  	_ =	shalt  }
0x7a: {  	_ =	shalt  }
0x7b: {  	_ =	shalt  }
0x7c: {  	_ =	shalt  }
0x7d: {  	_ =	shalt  }
0x7e: {  	_ =	shalt  }
0x7f: {  	_ =	shalt  }
0x80: {  	_ =	shalt  }
0x81: {  	_ =	shalt  }
0x82: {  	_ =	shalt  }
0x83: {  	_ =	shalt  }
0x84: {  	_ =	shalt  }
0x85: {  	_ =	shalt  }
0x86: {  	_ =	shalt  }
0x87: {  	_ =	shalt  }
.Lfunc_end0:
.L_simem_size_0:
called_computation_lowered:
.L_overlay_start_0:
0x88: {  	s2 =	sld [smem:$0x3FD9]  }
0x89: {  	s3 =	sld [smem:$0x3FFE];
	_ =	sdelay $0x1  }
0x8a: {  	s1 =	srdreg.scid  }
0x8b: {  	s0 =	sand.u32 $0x1, s1  }
0x8c: {  	s18 =	sshll.u32 s0, $0xA;
	s2 =	sadd.s32 s3, s2  }
0x8d: {  	s2 =	sadd.s32 s2, s18  }
0x8e: {  	[smem:$0x3FC6] =	sst s2  }
0x8f: {  	_ = 	snop  }
0x90: {  	s2 =	sld [smem:$0x3FC9]  }
0x91: {  	s19 =	sld [smem:$0x3FC8]  }
0x92: {  	s4 =	sld [smem:$0x3FD0];
	(tm) =	ssettm $0x1  }
0x93: {  	s5 =	sld [smem:$0x3FFB];
	_ =	sdelay $0x3  }
0x94: {  	_ =	strace s5  }
0x95: {  	s5 =	sld [smem:$0x3FFC];
	_ =	sdelay $0x3  }
0x96: {  	_ =	strace s5  }
0x97: {  	s5 =	sld [smem:$0x3FFD];
	_ =	sdelay $0x3  }
0x98: {  	_ =	strace s5  }
0x99: {  	_ =	strace $0x8FFFFFFF  }
0x9a: {  	s20 =	sld [smem:$0x3FDB];
	_ =	sdelay $0x1  }
0x9b: {  	s6 =	simm.s32 $_scs_section_size  }
0x9c: {  	s7 =	simm.s32 $_size__tile_overlayer_lowered;
	s8 =	simm.s32 $_tile_overlayer_lowered  }
0x9d: {  	s23 =	simm.s32 $0x1BFF;
	s22 =	sshll.u32 s8, $0x1;
	s5 =	sadd.s32 s6, s20  }
0x9e: {  	s9 =	simm.s32 $0x0;
	s21 =	sshll.u32 s7, $0x1;
	s7 =	sadd.s32 s22, s5  }
0x9f: {  	[timem:s9], [sflag:s23] =	dma.local [hbm:s7], s21  }
0xa0: {  	_ =	swait.ge [sflag:s23], s21  }
0xa1: {  	s6 =	ssub.s32 $0x0, s21;
	[sflag:s23] =	ssyncset.done $0x0  }
0xa2: {  	[sflag:s23] =	ssyncadd.s32 s6;
	_ =	sdelay $0x1  }
0xa3: {  	s24 =	simm.s32 $0x1B8B  }
0xa4: {  	_ =	swait.ge [sflag:s24], $0x1  }
0xa5: {  	[sflag:s24] =	ssyncset.done $0x0  }
0xa6: {  	s25 =	simm.s32 $0x1B8E;
	[sflag:s24] =	ssyncadd.s32 $0xFFFFFFFF  }
0xa7: {  	s26 =	simm.s32 $execute0_lowered;
	[smem:$0x3FD2] =	sst s25  }
0xa8: {  	s6 =	sshll.u32 s26, $0x1;
	_ =	strace $0x80000046;
	[dreg:$0x1] =	wrdreg $0xFFFFFFFF  }
0xa9: {  	s28 =	simm.s32 $_size_execute0_lowered;
	s5 =	sadd.s32 s5, s6;
	[dreg:$0x0] =	wrdreg $0x0  }
0xaa: {  	s6 =	sshll.u32 s28, $0x1;
	[dreg:$0x2] =	wrdreg s5  }
0xab: {  	[dreg:$0x3] =	wrdreg s6  }
0xac: {  	[dreg:$0x4] =	wrdreg $0xC0  }
0xad: {  	_ =	task [dreg:s9], $0x5FFFF  }
0xae: {  	[dreg:$0x1] =	wrdreg $0xFFFFFFFF  }
0xaf: {  	[dreg:$0x0] =	wrdreg $0x60  }
0xb0: {  	[dreg:$0x2] =	wrdreg s2  }
0xb1: {  	[dreg:$0x3] =	wrdreg s19  }
0xb2: {  	[dreg:$0x4] =	wrdreg s4  }
0xb3: {  	[dreg:$0x5] =	wrdreg $0x9  }
0xb4: {  	_ =	task.clear_ibuf [dreg:s9], $0x6FFFF;
	_ =	strace $0x90000046  }
0xb5: {  	s29 =	simm.s32 $0x9;
	_ =	strace $0x80000048  }
0xb6: {  	_ =	swait.ge [sflag:s29], $0x1  }
0xb7: {  	[sflag:s29] =	ssyncadd.s32 $0xFFFFFFFF  }
0xb8: {  	_ =	strace $0x90000048  }
0xb9: {  	_ =	sfence  }
0xba: {  	s30 =	sld [smem:$0x0];
	_ =	sdelay $0x2  }
0xbb: {  	s31 =	sshll.u32 s1, $0xD;
	s1 =	sshrl.u32 s1, $0x2  }
0xbc: {  	s3 =	sand.u32 $0x4000, s31;
	s1 =	sadd.s32 s1, s30  }
0xbd: {  	s0 =	sor.u32 s3, s0;
	s1 =	sshll.u32 s1, $0x11  }
0xbe: {  	s0 =	sor.u32 s1, s0  }
0xbf: {  	s0 =	sadd.s32 $0x8F2B, s0  }
0xc0: {  	[sflag:s0] =	ssyncadd.remote.s32 $0x1  }
0xc1: {  	_ =	sfence.sel $0xFFFF  }
0xc2: {  	[dreg:$0x0] =	wrdreg $0xFFFFFFFF;
	(pc) =	sbr.abs _section_cstart, $3  }
0xc3: {  	[dreg:$0x1] =	wrdreg $0xFFFFFFFF  }
0xc4: {  	_ =	task.clear_ibuf [dreg:s9], $0x2FFFF;
	_ =	strace $0x9FFFFFFF  }
0xc5: {  	(tm) =	ssettm $0x7FFFFFFF  }
tec
execute0_lowered:
.L_overlay_start_1:
0x0: {  	(tag) =	ssettag $0x1  }
0x1: {  	s1 =	rddreg [dreg:$0x0]  }
0x2: {  	s10 =	rddreg [dreg:$0x1]  }
0x3: {  	s2 =	rddreg [dreg:$0x2]  }
0x4: {  	s0 =	rddreg [dreg:$0x3];
	s4 =	simm.s32 $0x0  }
0x5: {  	s5 =	srdreg.scid;
	s3 =	stileid.u32;
	s14 =	simm.s32 $0x400  }
0x6: {  	s15 =	simm.s32 $0x18700;
	s16 =	simm.s32 $0x19700;
	s17 =	simm.s32 $0x1A700  }
0x7: {  	s18 =	simm.s32 $0x1;
	s19 =	simm.s32 $0x2;
	s20 =	simm.s32 $0x3  }
0x8: {  	s21 =	simm.s32 $0x0;
	[smem:$0x7FF] =	sst s4;
	s5 =	sand.u32 $0x1, s5  }
0x9: {  	s9 =	sshrl.u32 s3, $0x2;
	s6 =	sshll.u32 s3, $0x8;
	s7 =	sshll.u32 s5, $0x7  }
0xa: {  	s6 =	sand.u32 $0x300, s6;
	s8 =	smul.u32 $0xC3800, s9;
	s12 =	sor.u32 $0x4, s9  }
0xb: {  	s11 =	ssub.s32 $0x2, s5;
	_ =	strace $0x80000047;
	s29 =	smul.u32 $0xC3800, s12  }
0xc: {  	s9 =	sshll.u32 s9, $0xF;
	s5 =	sor.u32 s7, s6;
	s28 =	sshrl.u32 s11, $0x1  }
0xd: {  	s7 =	sor.u32 s8, s5;
	s13 =	ssub.s32 s11, s28;
	s31 =	sor.u32 s5, s29  }
0xe: {  	s8 =	sadd.s32 $0x20, s1;
	s30 =	sshrl.u32 s7, $0x3;
	s11 =	sshrl.u32 s31, $0x3  }
0xf: {  	s7 =	sadd.s32 $0x10, s1;
	s6 =	sadd.s32 s10, s30;
	s10 =	sadd.s32 s10, s11  }
0x10: {  	s11 =	sshll.u32 s12, $0xF;
	s12 =	smax.u32 s13, $0x1;
	s13 =	simm.s32 $0x80  }
.LBB2_1:
0x11: {  	[tilespmem:s4], [sflag:$0x1] =	stream.strided.gather [hbm4b:s6+s13], $0x18700, s14, s13, $0x38;
	[tilespmem:$0x1F700] =	vst v63  }
0x12: {  	_ = 	snop  }
0x13: {  	[tilespmem:s15], [sflag:$0x2] =	stream.strided.gather [hbm4b:s1+s13], $0x1000, s14, s13, $0x38;
	[tilespmem:$0x1F700] =	vst v63  }
0x14: {  	_ = 	snop  }
0x15: {  	[tilespmem:s16], [sflag:$0x2] =	stream.strided.gather [hbm4b:s7+s13], $0x1000, s14, s13, $0x38;
	[tilespmem:$0x1F700] =	vst v63  }
0x16: {  	_ = 	snop  }
0x17: {  	[tilespmem:s17], [sflag:$0x2] =	stream.strided.gather [hbm4b:s8+s13], $0x1000, s14, s13, $0x38;
	[tilespmem:$0x1F700] =	vst v63  }
0x18: {  	_ =	swait.ge [sflag:s18], $0x18700  }
0x19: {  	s22 =	simm.s32 $0x1C700;
	[sflag:s18] =	ssyncset.done $0x0  }
0x1a: {  	s23 =	simm.s32 $0x0;
	s24 =	simm.s32 $0x0;
	[sflag:s18] =	ssyncadd.s32 $0xFFFE7900  }
.LBB2_2:
0x1b: {  	p0 =	sgt.u32 s24, $0x2E  }
0x1c: {  	s25 =	sand.u32 $0x3, s23;
	s26 =	sadd.s32 @!p0 $0x3, s24  }
0x1d: {  	s25 =	sshll.u32 s25, $0xC;
	s30 =	simm.s32 @!p0 $0x400;
	s28 =	sshll.u32 @!p0 s26, $0x4  }
0x1e: {  	s29 =	sshll.u32 @!p0 s26, $0xC;
	s26 =	sshll.u32 @!p0 s26, $0x9;
	s28 =	sand.u32 @!p0 $0x70, s28  }
0x1f: {  	s29 =	sand.u32 @!p0 $0x3000, s29;
	s26 =	sand.u32 @!p0 $0xF000, s26;
	s28 =	sadd.s32 @!p0 s1, s28  }
0x20: {  	s29 =	sor.u32 @!p0 $0x18700, s29;
	s26 =	sadd.s32 @!p0 s26, s28;
	s28 =	simm.s32 @!p0 $0x80  }
0x21: {  	[tilespmem:s29], [sflag:$0x2] =	stream.strided.gather @!p0 [hbm4b:s26+s28], $0x1000, s30, s28, $0x38;
	[tilespmem:$0x1F700] =	vst v63  }
0x22: {  	s25 =	sor.u32 $0x18780, s25;
	_ =	swait.ge [sflag:s19], $0x1000  }
0x23: {  	v0 =	vmov s25;
	p0 =	slt.u32 s24, $0x3;
	[sflag:s19] =	ssyncset.done $0x0  }
0x24: {  	s25 =	simm.s32 @!p0 $0x3;
	[sflag:s19] =	ssyncadd.s32 $0xFFFFF000  }
0x25: {  	_ =	swait.ge @!p0 [sflag:s25], $0x1000  }
0x26: {  	[sflag:s25] =	ssyncset.done @!p0 $0x0  }
0x27: {  	[sflag:s25] =	ssyncadd.s32 @!p0 $0xFFFFF000;
	s25 =	simm.s32 $0x0  }
0x28: {  	v1 =	vld.idx.msk [tilespmem:v0+s25+$0x70 ss:$0x1], $0xffff  }
0x29: {  	v3 =	vld.idx.msk [tilespmem:v0+s25+$0xFFFFFF80 ss:$0x1], $0xffff  }
0x2a: {  	v4 =	vld.idx.msk [tilespmem:v0+s25+$0xFFFFFF90 ss:$0x1], $0xffff  }
0x2b: {  	v5 =	vld.idx.msk [tilespmem:v0+s25+$0xFFFFFFA0 ss:$0x1], $0xffff  }
0x2c: {  	v6 =	vld.idx.msk [tilespmem:v0+s25+$0xFFFFFFB0 ss:$0x1], $0xffff  }
0x2d: {  	v7 =	vld.idx.msk [tilespmem:v0+s25+$0xFFFFFFC0 ss:$0x1], $0xffff  }
0x2e: {  	v8 =	vld.idx.msk [tilespmem:v0+s25+$0xFFFFFFD0 ss:$0x1], $0xffff  }
0x2f: {  	v9 =	vld.idx.msk [tilespmem:v0+s25+$0xFFFFFFE0 ss:$0x1], $0xffff  }
0x30: {  	v11 =	vld.idx.msk [tilespmem:v0+s25+$0xFFFFFFF0 ss:$0x1], $0xffff  }
0x31: {  	v12 =	vld.idx.msk [tilespmem:v0+s25+$0x0 ss:$0x1], $0xffff  }
0x32: {  	s30 =	smulhi.u32 $0xAAAAAAAB, s24;
	v13 =	vld.idx.msk [tilespmem:v0+s25+$0x10 ss:$0x1], $0xffff  }
0x33: {  	v14 =	vld.idx.msk [tilespmem:v0+s25+$0x20 ss:$0x1], $0xffff  }
0x34: {  	s26 =	sshrl.u32 s30, $0x1;
	v15 =	vld.idx.msk [tilespmem:v0+s25+$0x30 ss:$0x1], $0xffff  }
0x35: {  	s26 =	smul.u32 $0xFFFF4000, s26;
	v16 =	vld.idx.msk [tilespmem:v0+s25+$0x40 ss:$0x1], $0xffff  }
0x36: {  	v17 =	vld.idx.msk [tilespmem:v0+s25+$0x50 ss:$0x1], $0xffff  }
0x37: {  	s26 =	sshra.s32 s26, $0x2;
	v2 =	vld.idx.msk [tilespmem:v0+s25+$0x60 ss:$0x1], $0xffff  }
0x38: {  	s26 =	sadd.s32 s26, s22;
	v10 =	vld.idx.msk [tilespmem:v1+s4+$0x0], $0xffff  }
0x39: {  	v1 =	vmov s26;
	v3 =	vld.idx.msk [tilespmem:v3+s4+$0x0], $0xffff  }
0x3a: {  	v4 =	vld.idx.msk [tilespmem:v4+s4+$0x0], $0xffff  }
0x3b: {  	v5 =	vld.idx.msk [tilespmem:v5+s4+$0x0], $0xffff  }
0x3c: {  	v6 =	vld.idx.msk [tilespmem:v6+s4+$0x0], $0xffff  }
0x3d: {  	s31 =	smul.u32 $0xAB, s24;
	v7 =	vld.idx.msk [tilespmem:v7+s4+$0x0], $0xffff  }
0x3e: {  	v8 =	vld.idx.msk [tilespmem:v8+s4+$0x0], $0xffff;
	[tilespmem:v1+s25+$0xF0 ss:$0x1] =	vst.idx.msk $0xffff, v10  }
0x3f: {  	s26 =	sshrl.u32 s31, $0x9;
	v9 =	vld.idx.msk [tilespmem:v9+s4+$0x0], $0xffff;
	[tilespmem:v1+s25+$0x0 ss:$0x1] =	vst.idx.msk $0xffff, v3  }
0x40: {  	s26 =	sand.u32 $0x7F, s26;
	[tilespmem:v1+s25+$0x10 ss:$0x1] =	vst.idx.msk $0xffff, v4;
	v10 =	vld.idx.msk [tilespmem:v11+s4+$0x0], $0xffff  }
0x41: {  	s26 =	smul.u32 $0x3, s26;
	[tilespmem:v1+s25+$0x20 ss:$0x1] =	vst.idx.msk $0xffff, v5;
	v4 =	vld.idx.msk [tilespmem:v12+s4+$0x0], $0xffff  }
0x42: {  	[tilespmem:v1+s25+$0x30 ss:$0x1] =	vst.idx.msk $0xffff, v6;
	v3 =	vld.idx.msk [tilespmem:v13+s4+$0x0], $0xffff  }
0x43: {  	s26 =	ssub.s32 s24, s26;
	[tilespmem:v1+s25+$0x40 ss:$0x1] =	vst.idx.msk $0xffff, v7;
	v5 =	vld.idx.msk [tilespmem:v14+s4+$0x0], $0xffff  }
0x44: {  	s26 =	sand.u32 $0xE3, s26;
	[tilespmem:v1+s25+$0x50 ss:$0x1] =	vst.idx.msk $0xffff, v8;
	v6 =	vld.idx.msk [tilespmem:v15+s4+$0x0], $0xffff  }
0x45: {  	[tilespmem:v1+s25+$0x60 ss:$0x1] =	vst.idx.msk $0xffff, v9;
	v7 =	vld.idx.msk [tilespmem:v16+s4+$0x0], $0xffff;
	s26 =	sshll.u32 s26, $0xC  }
0x46: {  	s28 =	simm.s32 $0x0;
	s29 =	simm.s32 $0x400;
	v8 =	vld.idx.msk [tilespmem:v17+s4+$0x0], $0xffff;
	s26 =	sor.u32 $0x1C700, s26;
	[tilespmem:v1+s25+$0x70 ss:$0x1] =	vst.idx.msk $0xffff, v10  }
.LBB2_3:
0x47: {  	s30 =	sshra.s32 s29, $0x2;
	s28 =	sadd.s32 $0x100, s28;
	[tilespmem:v1+s25+$0x80 ss:$0x1] =	vst.idx.msk $0xffff, v4;
	v2 =	vld.idx.msk [tilespmem:v2+s4+$0x0], $0xffff  }
0x48: {  	v4 =	vld.idx.msk [tilespmem:v0+s30+$0x70 ss:$0x1], $0xffff;
	p0 =	slt.u32 s28, $0xF00;
	[tilespmem:v1+s25+$0x90 ss:$0x1] =	vst.idx.msk $0xffff, v3  }
0x49: {  	v3 =	vld.idx.msk [tilespmem:v0+s30+$0xFFFFFF80 ss:$0x1], $0xffff;
	[tilespmem:v1+s25+$0xA0 ss:$0x1] =	vst.idx.msk $0xffff, v5  }
0x4a: {  	v5 =	vld.idx.msk [tilespmem:v0+s30+$0xFFFFFF90 ss:$0x1], $0xffff;
	[tilespmem:v1+s25+$0xB0 ss:$0x1] =	vst.idx.msk $0xffff, v6  }
0x4b: {  	v6 =	vld.idx.msk [tilespmem:v0+s30+$0xFFFFFFA0 ss:$0x1], $0xffff;
	[tilespmem:v1+s25+$0xC0 ss:$0x1] =	vst.idx.msk $0xffff, v7  }
0x4c: {  	v7 =	vld.idx.msk [tilespmem:v0+s30+$0xFFFFFFB0 ss:$0x1], $0xffff;
	[tilespmem:v1+s25+$0xD0 ss:$0x1] =	vst.idx.msk $0xffff, v8  }
0x4d: {  	v8 =	vld.idx.msk [tilespmem:v0+s30+$0xFFFFFFC0 ss:$0x1], $0xffff;
	[tilespmem:v1+s25+$0xE0 ss:$0x1] =	vst.idx.msk $0xffff, v2;
	s25 =	smov.u32 s30  }
0x4e: {  	v9 =	vld.idx.msk [tilespmem:v0+s25+$0xFFFFFFD0 ss:$0x1], $0xffff  }
0x4f: {  	v10 =	vld.idx.msk [tilespmem:v0+s25+$0xFFFFFFE0 ss:$0x1], $0xffff  }
0x50: {  	v2 =	vld.idx.msk [tilespmem:v4+s4+$0x0], $0xffff  }
0x51: {  	v4 =	vld.idx.msk [tilespmem:v0+s25+$0xFFFFFFF0 ss:$0x1], $0xffff  }
0x52: {  	v11 =	vld.idx.msk [tilespmem:v0+s25+$0x0 ss:$0x1], $0xffff  }
0x53: {  	v12 =	vld.idx.msk [tilespmem:v0+s25+$0x10 ss:$0x1], $0xffff  }
0x54: {  	v13 =	vld.idx.msk [tilespmem:v0+s25+$0x20 ss:$0x1], $0xffff  }
0x55: {  	v14 =	vld.idx.msk [tilespmem:v0+s25+$0x30 ss:$0x1], $0xffff  }
0x56: {  	v15 =	vld.idx.msk [tilespmem:v0+s25+$0x40 ss:$0x1], $0xffff;
	[tilespmem:v1+s25+$0xF0 ss:$0x1] =	vst.idx.msk $0xffff, v2  }
0x57: {  	v16 =	vld.idx.msk [tilespmem:v0+s25+$0x50 ss:$0x1], $0xffff  }
0x58: {  	v2 =	vld.idx.msk [tilespmem:v0+s25+$0x60 ss:$0x1], $0xffff  }
0x59: {  	v3 =	vld.idx.msk [tilespmem:v3+s4+$0x0], $0xffff  }
0x5a: {  	v5 =	vld.idx.msk [tilespmem:v5+s4+$0x0], $0xffff  }
0x5b: {  	v6 =	vld.idx.msk [tilespmem:v6+s4+$0x0], $0xffff  }
0x5c: {  	v7 =	vld.idx.msk [tilespmem:v7+s4+$0x0], $0xffff  }
0x5d: {  	v8 =	vld.idx.msk [tilespmem:v8+s4+$0x0], $0xffff  }
0x5e: {  	v9 =	vld.idx.msk [tilespmem:v9+s4+$0x0], $0xffff  }
0x5f: {  	[tilespmem:v1+s25+$0x0 ss:$0x1] =	vst.idx.msk $0xffff, v3;
	v10 =	vld.idx.msk [tilespmem:v10+s4+$0x0], $0xffff  }
0x60: {  	[tilespmem:v1+s25+$0x10 ss:$0x1] =	vst.idx.msk $0xffff, v5;
	v17 =	vld.idx.msk [tilespmem:v4+s4+$0x0], $0xffff  }
0x61: {  	[tilespmem:v1+s25+$0x20 ss:$0x1] =	vst.idx.msk $0xffff, v6;
	v4 =	vld.idx.msk [tilespmem:v11+s4+$0x0], $0xffff  }
.Ltmp0:
0x62: {  	[tilespmem:v1+s25+$0x30 ss:$0x1] =	vst.idx.msk $0xffff, v7;
	v3 =	vld.idx.msk [tilespmem:v12+s4+$0x0], $0xffff;
	(pc) =	sbr.rel @p0 .LBB2_3-.Ltmp0, $4  }
0x63: {  	[tilespmem:v1+s25+$0x40 ss:$0x1] =	vst.idx.msk $0xffff, v8;
	v5 =	vld.idx.msk [tilespmem:v13+s4+$0x0], $0xffff  }
0x64: {  	[tilespmem:v1+s25+$0x50 ss:$0x1] =	vst.idx.msk $0xffff, v9;
	v6 =	vld.idx.msk [tilespmem:v14+s4+$0x0], $0xffff  }
0x65: {  	[tilespmem:v1+s25+$0x60 ss:$0x1] =	vst.idx.msk $0xffff, v10;
	v7 =	vld.idx.msk [tilespmem:v15+s4+$0x0], $0xffff  }
0x66: {  	s29 =	sadd.s32 $0x400, s29;
	[tilespmem:v1+s25+$0x70 ss:$0x1] =	vst.idx.msk $0xffff, v17;
	v8 =	vld.idx.msk [tilespmem:v16+s4+$0x0], $0xffff  }
0x67: {  	_ =	sdelay $0x3  }
0x68: {  	[tilespmem:v1+s25+$0x80 ss:$0x1] =	vst.idx.msk $0xffff, v4  }
0x69: {  	v0 =	vld.idx.msk [tilespmem:v2+s4+$0x0], $0xffff;
	[tilespmem:v1+s25+$0x90 ss:$0x1] =	vst.idx.msk $0xffff, v3;
	s28 =	sshll.u32 s24, $0x12;
	s24 =	sadd.s32 $0x1, s24  }
0x6a: {  	[tilespmem:v1+s25+$0xA0 ss:$0x1] =	vst.idx.msk $0xffff, v5;
	p0 =	sne.s32 s24, $0x32  }
.Ltmp1:
0x6b: {  	s28 =	sor.u32 s28, s9;
	[tilespmem:v1+s25+$0xB0 ss:$0x1] =	vst.idx.msk $0xffff, v6;
	(pc) =	sbr.rel @p0 .LBB2_2-.Ltmp1, $4  }
0x6c: {  	s28 =	sor.u32 s5, s28;
	[tilespmem:v1+s25+$0xC0 ss:$0x1] =	vst.idx.msk $0xffff, v7  }
0x6d: {  	s28 =	sshrl.u32 s28, $0x3;
	[tilespmem:v1+s25+$0xD0 ss:$0x1] =	vst.idx.msk $0xffff, v8  }
0x6e: {  	s22 =	sadd.s32 $0x1000, s22;
	s23 =	sadd.s32 $0x1, s23;
	s31 =	sadd.s32 s2, s28;
	[tilespmem:v1+s25+$0xE0 ss:$0x1] =	vst.idx.msk $0xffff, v0  }
0x6f: {  	[hbm4b:s31+s13] =	stream.strided.scatter [tilespmem:s26], [sflag:$0x3], $0x1000, s14, s13, $0x38;
	[tilespmem:$0x1F700] =	vst v63  }
0x70: {  	s22 =	simm.s32 $0x0  }
0x71: {  	[tilespmem:s22], [sflag:$0x1] =	stream.strided.gather [hbm4b:s10+s13], $0x18700, s14, s13, $0x38;
	[tilespmem:$0x1F700] =	vst v63  }
0x72: {  	_ =	swait.ge [sflag:s20], $0x1000  }
0x73: {  	[sflag:s20] =	ssyncset.done $0x0  }
0x74: {  	[sflag:s20] =	ssyncadd.s32 $0xFFFFF000  }
0x75: {  	_ =	swait.ge [sflag:s20], $0x1000  }
0x76: {  	[sflag:s20] =	ssyncset.done $0x0  }
0x77: {  	[sflag:s20] =	ssyncadd.s32 $0xFFFFF000  }
0x78: {  	_ =	swait.ge [sflag:s20], $0x1000  }
0x79: {  	[sflag:s20] =	ssyncset.done $0x0  }
0x7a: {  	[sflag:s20] =	ssyncadd.s32 $0xFFFFF000  }
0x7b: {  	[tilespmem:s15], [sflag:$0x2] =	stream.strided.gather [hbm4b:s1+s13], $0x1000, s14, s13, $0x38;
	[tilespmem:$0x1F700] =	vst v63  }
0x7c: {  	_ = 	snop  }
0x7d: {  	[tilespmem:s16], [sflag:$0x2] =	stream.strided.gather [hbm4b:s7+s13], $0x1000, s14, s13, $0x38;
	[tilespmem:$0x1F700] =	vst v63  }
0x7e: {  	_ = 	snop  }
0x7f: {  	[tilespmem:s17], [sflag:$0x2] =	stream.strided.gather [hbm4b:s8+s13], $0x1000, s14, s13, $0x38;
	[tilespmem:$0x1F700] =	vst v63  }
0x80: {  	_ =	swait.ge [sflag:s18], $0x18700  }
0x81: {  	[sflag:s18] =	ssyncset.done $0x0  }
0x82: {  	s23 =	simm.s32 $0x1C700;
	s24 =	simm.s32 $0x0;
	[sflag:s18] =	ssyncadd.s32 $0xFFFE7900  }
.LBB2_6:
0x83: {  	p0 =	sgt.u32 s24, $0x2E  }
0x84: {  	s25 =	sand.u32 $0x3, s22;
	s26 =	sadd.s32 @!p0 $0x3, s24  }
0x85: {  	s25 =	sshll.u32 s25, $0xC;
	s30 =	simm.s32 @!p0 $0x400;
	s28 =	sshll.u32 @!p0 s26, $0x4  }
0x86: {  	s29 =	sshll.u32 @!p0 s26, $0xC;
	s26 =	sshll.u32 @!p0 s26, $0x9;
	s28 =	sand.u32 @!p0 $0x70, s28  }
0x87: {  	s29 =	sand.u32 @!p0 $0x3000, s29;
	s26 =	sand.u32 @!p0 $0xF000, s26;
	s28 =	sadd.s32 @!p0 s1, s28  }
0x88: {  	s29 =	sor.u32 @!p0 $0x18700, s29;
	s26 =	sadd.s32 @!p0 s26, s28;
	s28 =	simm.s32 @!p0 $0x80  }
0x89: {  	[tilespmem:s29], [sflag:$0x2] =	stream.strided.gather @!p0 [hbm4b:s26+s28], $0x1000, s30, s28, $0x38;
	[tilespmem:$0x1F700] =	vst v63  }
0x8a: {  	s25 =	sor.u32 $0x18780, s25;
	_ =	swait.ge [sflag:s19], $0x1000  }
0x8b: {  	v0 =	vmov s25;
	p0 =	slt.u32 s24, $0x3;
	[sflag:s19] =	ssyncset.done $0x0  }
0x8c: {  	s25 =	simm.s32 @!p0 $0x3;
	[sflag:s19] =	ssyncadd.s32 $0xFFFFF000  }
0x8d: {  	_ =	swait.ge @!p0 [sflag:s25], $0x1000  }
0x8e: {  	[sflag:s25] =	ssyncset.done @!p0 $0x0  }
0x8f: {  	[sflag:s25] =	ssyncadd.s32 @!p0 $0xFFFFF000;
	s25 =	simm.s32 $0x0  }
0x90: {  	v1 =	vld.idx.msk [tilespmem:v0+s25+$0x70 ss:$0x1], $0xffff  }
0x91: {  	v3 =	vld.idx.msk [tilespmem:v0+s25+$0xFFFFFF80 ss:$0x1], $0xffff  }
0x92: {  	v4 =	vld.idx.msk [tilespmem:v0+s25+$0xFFFFFF90 ss:$0x1], $0xffff  }
0x93: {  	v5 =	vld.idx.msk [tilespmem:v0+s25+$0xFFFFFFA0 ss:$0x1], $0xffff  }
0x94: {  	v6 =	vld.idx.msk [tilespmem:v0+s25+$0xFFFFFFB0 ss:$0x1], $0xffff  }
0x95: {  	v7 =	vld.idx.msk [tilespmem:v0+s25+$0xFFFFFFC0 ss:$0x1], $0xffff  }
0x96: {  	v8 =	vld.idx.msk [tilespmem:v0+s25+$0xFFFFFFD0 ss:$0x1], $0xffff  }
0x97: {  	v9 =	vld.idx.msk [tilespmem:v0+s25+$0xFFFFFFE0 ss:$0x1], $0xffff  }
0x98: {  	v11 =	vld.idx.msk [tilespmem:v0+s25+$0xFFFFFFF0 ss:$0x1], $0xffff  }
0x99: {  	v12 =	vld.idx.msk [tilespmem:v0+s25+$0x0 ss:$0x1], $0xffff  }
0x9a: {  	s30 =	smulhi.u32 $0xAAAAAAAB, s24;
	v13 =	vld.idx.msk [tilespmem:v0+s25+$0x10 ss:$0x1], $0xffff  }
0x9b: {  	v14 =	vld.idx.msk [tilespmem:v0+s25+$0x20 ss:$0x1], $0xffff  }
0x9c: {  	s26 =	sshrl.u32 s30, $0x1;
	v15 =	vld.idx.msk [tilespmem:v0+s25+$0x30 ss:$0x1], $0xffff  }
0x9d: {  	s26 =	smul.u32 $0xFFFF4000, s26;
	v16 =	vld.idx.msk [tilespmem:v0+s25+$0x40 ss:$0x1], $0xffff  }
0x9e: {  	v17 =	vld.idx.msk [tilespmem:v0+s25+$0x50 ss:$0x1], $0xffff  }
0x9f: {  	s26 =	sshra.s32 s26, $0x2;
	v2 =	vld.idx.msk [tilespmem:v0+s25+$0x60 ss:$0x1], $0xffff  }
0xa0: {  	s26 =	sadd.s32 s26, s23;
	v10 =	vld.idx.msk [tilespmem:v1+s4+$0x0], $0xffff  }
0xa1: {  	v1 =	vmov s26;
	v3 =	vld.idx.msk [tilespmem:v3+s4+$0x0], $0xffff  }
0xa2: {  	v4 =	vld.idx.msk [tilespmem:v4+s4+$0x0], $0xffff  }
0xa3: {  	v5 =	vld.idx.msk [tilespmem:v5+s4+$0x0], $0xffff  }
0xa4: {  	v6 =	vld.idx.msk [tilespmem:v6+s4+$0x0], $0xffff  }
0xa5: {  	s31 =	smul.u32 $0xAB, s24;
	v7 =	vld.idx.msk [tilespmem:v7+s4+$0x0], $0xffff  }
0xa6: {  	v8 =	vld.idx.msk [tilespmem:v8+s4+$0x0], $0xffff;
	[tilespmem:v1+s25+$0xF0 ss:$0x1] =	vst.idx.msk $0xffff, v10  }
0xa7: {  	s26 =	sshrl.u32 s31, $0x9;
	v9 =	vld.idx.msk [tilespmem:v9+s4+$0x0], $0xffff;
	[tilespmem:v1+s25+$0x0 ss:$0x1] =	vst.idx.msk $0xffff, v3  }
0xa8: {  	s26 =	sand.u32 $0x7F, s26;
	[tilespmem:v1+s25+$0x10 ss:$0x1] =	vst.idx.msk $0xffff, v4;
	v10 =	vld.idx.msk [tilespmem:v11+s4+$0x0], $0xffff  }
0xa9: {  	s26 =	smul.u32 $0x3, s26;
	[tilespmem:v1+s25+$0x20 ss:$0x1] =	vst.idx.msk $0xffff, v5;
	v4 =	vld.idx.msk [tilespmem:v12+s4+$0x0], $0xffff  }
0xaa: {  	[tilespmem:v1+s25+$0x30 ss:$0x1] =	vst.idx.msk $0xffff, v6;
	v3 =	vld.idx.msk [tilespmem:v13+s4+$0x0], $0xffff  }
0xab: {  	s26 =	ssub.s32 s24, s26;
	[tilespmem:v1+s25+$0x40 ss:$0x1] =	vst.idx.msk $0xffff, v7;
	v5 =	vld.idx.msk [tilespmem:v14+s4+$0x0], $0xffff  }
0xac: {  	s26 =	sand.u32 $0xE3, s26;
	[tilespmem:v1+s25+$0x50 ss:$0x1] =	vst.idx.msk $0xffff, v8;
	v6 =	vld.idx.msk [tilespmem:v15+s4+$0x0], $0xffff  }
0xad: {  	[tilespmem:v1+s25+$0x60 ss:$0x1] =	vst.idx.msk $0xffff, v9;
	v7 =	vld.idx.msk [tilespmem:v16+s4+$0x0], $0xffff;
	s26 =	sshll.u32 s26, $0xC  }
0xae: {  	s28 =	simm.s32 $0x0;
	s29 =	simm.s32 $0x400;
	v8 =	vld.idx.msk [tilespmem:v17+s4+$0x0], $0xffff;
	s26 =	sor.u32 $0x1C700, s26;
	[tilespmem:v1+s25+$0x70 ss:$0x1] =	vst.idx.msk $0xffff, v10  }
.LBB2_7:
0xaf: {  	s30 =	sshra.s32 s29, $0x2;
	s28 =	sadd.s32 $0x100, s28;
	[tilespmem:v1+s25+$0x80 ss:$0x1] =	vst.idx.msk $0xffff, v4;
	v2 =	vld.idx.msk [tilespmem:v2+s4+$0x0], $0xffff  }
0xb0: {  	v4 =	vld.idx.msk [tilespmem:v0+s30+$0x70 ss:$0x1], $0xffff;
	p0 =	slt.u32 s28, $0xF00;
	[tilespmem:v1+s25+$0x90 ss:$0x1] =	vst.idx.msk $0xffff, v3  }
0xb1: {  	v3 =	vld.idx.msk [tilespmem:v0+s30+$0xFFFFFF80 ss:$0x1], $0xffff;
	[tilespmem:v1+s25+$0xA0 ss:$0x1] =	vst.idx.msk $0xffff, v5  }
0xb2: {  	v5 =	vld.idx.msk [tilespmem:v0+s30+$0xFFFFFF90 ss:$0x1], $0xffff;
	[tilespmem:v1+s25+$0xB0 ss:$0x1] =	vst.idx.msk $0xffff, v6  }
0xb3: {  	v6 =	vld.idx.msk [tilespmem:v0+s30+$0xFFFFFFA0 ss:$0x1], $0xffff;
	[tilespmem:v1+s25+$0xC0 ss:$0x1] =	vst.idx.msk $0xffff, v7  }
0xb4: {  	v7 =	vld.idx.msk [tilespmem:v0+s30+$0xFFFFFFB0 ss:$0x1], $0xffff;
	[tilespmem:v1+s25+$0xD0 ss:$0x1] =	vst.idx.msk $0xffff, v8  }
0xb5: {  	v8 =	vld.idx.msk [tilespmem:v0+s30+$0xFFFFFFC0 ss:$0x1], $0xffff;
	[tilespmem:v1+s25+$0xE0 ss:$0x1] =	vst.idx.msk $0xffff, v2;
	s25 =	smov.u32 s30  }
0xb6: {  	v9 =	vld.idx.msk [tilespmem:v0+s25+$0xFFFFFFD0 ss:$0x1], $0xffff  }
0xb7: {  	v10 =	vld.idx.msk [tilespmem:v0+s25+$0xFFFFFFE0 ss:$0x1], $0xffff  }
0xb8: {  	v2 =	vld.idx.msk [tilespmem:v4+s4+$0x0], $0xffff  }
0xb9: {  	v4 =	vld.idx.msk [tilespmem:v0+s25+$0xFFFFFFF0 ss:$0x1], $0xffff  }
0xba: {  	v11 =	vld.idx.msk [tilespmem:v0+s25+$0x0 ss:$0x1], $0xffff  }
0xbb: {  	v12 =	vld.idx.msk [tilespmem:v0+s25+$0x10 ss:$0x1], $0xffff  }
0xbc: {  	v13 =	vld.idx.msk [tilespmem:v0+s25+$0x20 ss:$0x1], $0xffff  }
0xbd: {  	v14 =	vld.idx.msk [tilespmem:v0+s25+$0x30 ss:$0x1], $0xffff  }
0xbe: {  	v15 =	vld.idx.msk [tilespmem:v0+s25+$0x40 ss:$0x1], $0xffff;
	[tilespmem:v1+s25+$0xF0 ss:$0x1] =	vst.idx.msk $0xffff, v2  }
0xbf: {  	v16 =	vld.idx.msk [tilespmem:v0+s25+$0x50 ss:$0x1], $0xffff  }
0xc0: {  	v2 =	vld.idx.msk [tilespmem:v0+s25+$0x60 ss:$0x1], $0xffff  }
0xc1: {  	v3 =	vld.idx.msk [tilespmem:v3+s4+$0x0], $0xffff  }
0xc2: {  	v5 =	vld.idx.msk [tilespmem:v5+s4+$0x0], $0xffff  }
0xc3: {  	v6 =	vld.idx.msk [tilespmem:v6+s4+$0x0], $0xffff  }
0xc4: {  	v7 =	vld.idx.msk [tilespmem:v7+s4+$0x0], $0xffff  }
0xc5: {  	v8 =	vld.idx.msk [tilespmem:v8+s4+$0x0], $0xffff  }
0xc6: {  	v9 =	vld.idx.msk [tilespmem:v9+s4+$0x0], $0xffff  }
0xc7: {  	[tilespmem:v1+s25+$0x0 ss:$0x1] =	vst.idx.msk $0xffff, v3;
	v10 =	vld.idx.msk [tilespmem:v10+s4+$0x0], $0xffff  }
0xc8: {  	[tilespmem:v1+s25+$0x10 ss:$0x1] =	vst.idx.msk $0xffff, v5;
	v17 =	vld.idx.msk [tilespmem:v4+s4+$0x0], $0xffff  }
0xc9: {  	[tilespmem:v1+s25+$0x20 ss:$0x1] =	vst.idx.msk $0xffff, v6;
	v4 =	vld.idx.msk [tilespmem:v11+s4+$0x0], $0xffff  }
.Ltmp2:
0xca: {  	[tilespmem:v1+s25+$0x30 ss:$0x1] =	vst.idx.msk $0xffff, v7;
	v3 =	vld.idx.msk [tilespmem:v12+s4+$0x0], $0xffff;
	(pc) =	sbr.rel @p0 .LBB2_7-.Ltmp2, $4  }
0xcb: {  	[tilespmem:v1+s25+$0x40 ss:$0x1] =	vst.idx.msk $0xffff, v8;
	v5 =	vld.idx.msk [tilespmem:v13+s4+$0x0], $0xffff  }
0xcc: {  	[tilespmem:v1+s25+$0x50 ss:$0x1] =	vst.idx.msk $0xffff, v9;
	v6 =	vld.idx.msk [tilespmem:v14+s4+$0x0], $0xffff  }
0xcd: {  	[tilespmem:v1+s25+$0x60 ss:$0x1] =	vst.idx.msk $0xffff, v10;
	v7 =	vld.idx.msk [tilespmem:v15+s4+$0x0], $0xffff  }
0xce: {  	s29 =	sadd.s32 $0x400, s29;
	[tilespmem:v1+s25+$0x70 ss:$0x1] =	vst.idx.msk $0xffff, v17;
	v8 =	vld.idx.msk [tilespmem:v16+s4+$0x0], $0xffff  }
0xcf: {  	_ =	sdelay $0x3  }
0xd0: {  	[tilespmem:v1+s25+$0x80 ss:$0x1] =	vst.idx.msk $0xffff, v4  }
0xd1: {  	v0 =	vld.idx.msk [tilespmem:v2+s4+$0x0], $0xffff;
	[tilespmem:v1+s25+$0x90 ss:$0x1] =	vst.idx.msk $0xffff, v3;
	s28 =	sshll.u32 s24, $0x12;
	s24 =	sadd.s32 $0x1, s24  }
0xd2: {  	[tilespmem:v1+s25+$0xA0 ss:$0x1] =	vst.idx.msk $0xffff, v5;
	p0 =	sne.s32 s24, $0x32  }
.Ltmp3:
0xd3: {  	s28 =	sor.u32 s28, s11;
	[tilespmem:v1+s25+$0xB0 ss:$0x1] =	vst.idx.msk $0xffff, v6;
	(pc) =	sbr.rel @p0 .LBB2_6-.Ltmp3, $4  }
0xd4: {  	s28 =	sor.u32 s5, s28;
	[tilespmem:v1+s25+$0xC0 ss:$0x1] =	vst.idx.msk $0xffff, v7  }
0xd5: {  	s28 =	sshrl.u32 s28, $0x3;
	[tilespmem:v1+s25+$0xD0 ss:$0x1] =	vst.idx.msk $0xffff, v8  }
0xd6: {  	s23 =	sadd.s32 $0x1000, s23;
	s22 =	sadd.s32 $0x1, s22;
	s31 =	sadd.s32 s2, s28;
	[tilespmem:v1+s25+$0xE0 ss:$0x1] =	vst.idx.msk $0xffff, v0  }
0xd7: {  	[hbm4b:s31+s13] =	stream.strided.scatter [tilespmem:s26], [sflag:$0x3], $0x1000, s14, s13, $0x38;
	[tilespmem:$0x1F700] =	vst v63  }
0xd8: {  	_ =	swait.ge [sflag:s20], $0x1000  }
0xd9: {  	[sflag:s20] =	ssyncset.done $0x0  }
0xda: {  	s21 =	sadd.s32 $0x1, s21;
	[sflag:s20] =	ssyncadd.s32 $0xFFFFF000  }
0xdb: {  	p0 =	sne.s32 s21, s12;
	_ =	swait.ge [sflag:s20], $0x1000  }
.Ltmp4:
0xdc: {  	[sflag:s20] =	ssyncset.done $0x0;
	(pc) =	sbr.rel @p0 .LBB2_1-.Ltmp4, $4  }
0xdd: {  	[sflag:s20] =	ssyncadd.s32 $0xFFFFF000  }
0xde: {  	_ =	swait.ge [sflag:s20], $0x1000  }
0xdf: {  	[sflag:s20] =	ssyncset.done $0x0  }
0xe0: {  	[sflag:s20] =	ssyncadd.s32 $0xFFFFF000  }
0xe1: {  	_ =	sfence.sel $0x180000  }
0xe2: {  	[bflag:$0x0] =	sbarrier.arrive $0xFFFF  }
0xe3: {  	p0 =	sne.s32 s3, $0x0;
	_ =	strace $0x90000047  }
0xe4: {  	s0 =	sadd.s32 @!p0 $0x100000, s0;
	[bflag:$0x2] =	sbarrier.arrive $0xFFFF  }
0xe5: {  	[sflag:s0] =	ssyncadd.tile.s32 @!p0 $0x1;
	_ =	shalt  }
.Lfunc_end2:
_tile_overlayer_lowered:
.L_overlay_start_2:
0xe6: {  	(tag) =	ssettag $0x2  }
0xe7: {  	s0 =	rddreg [dreg:$0x0];
	s2 =	stileid.u32  }
0xe8: {  	s1 =	rddreg [dreg:$0x1];
	p0 =	sne.s32 s2, $0x0  }
0xe9: {  	s3 =	rddreg [dreg:$0x2];
	[bflag:$0x3] =	sbarrier.arrive $0xFFFF;
	s2 =	simm.s32 @!p0 $0x1C04  }
0xea: {  	[timem:s3], [sflag:s2] =	dma.local @!p0 [hbm:s0], s1  }
0xeb: {  	s0 =	simm.s32 @!p0 $0x4  }
0xec: {  	_ =	swait.ge @!p0 [sflag:s0], s1  }
0xed: {  	s1 =	ssub.s32 @!p0 $0x0, s1;
	[sflag:s0] =	ssyncset.done @!p0 $0x0  }
0xee: {  	[sflag:s0] =	ssyncadd.s32 @!p0 s1  }
0xef: {  	[bflag:$0x3] =	sbarrier.arrive $0xFFFF  }
0xf0: {  	_ =	shalt  }

</sc_bundles>
